<compile_context>
chip_gen: v7x
topology: tpu7x:2x2x1
jax: 0.10.2.dev20260603
libtpu: 0.0.44.dev20260713+nightly
codegen_flags: <defaults>
</compile_context>

<pallas_src>
import functools

import jax
import jax.numpy as jnp
from jax import lax
from jax.experimental import pallas as pl
from jax.experimental.pallas import tpu as pltpu
from jax.experimental.pallas import tpu_sc as plsc

_CHUNK = 128
_LANES = 16


@functools.lru_cache(maxsize=None)
def _build_gather(B, F, V):
    total = B * F
    info = plsc.get_sparse_core_info()
    NC, NS = info.num_cores, info.num_subcores
    NW = NC * NS
    assert total % NW == 0
    per_w = total // NW
    assert per_w % _CHUNK == 0
    n_chunks = per_w // _CHUNK
    vecs_per_chunk = _CHUNK // _LANES

    mesh = plsc.VectorSubcoreMesh(core_axis_name="c", subcore_axis_name="s")

    @functools.partial(
        pl.kernel,
        mesh=mesh,
        out_type=jax.ShapeDtypeStruct((total,), jnp.float32),
        scratch_types=[
            pltpu.VMEM((per_w,), jnp.float32),
            pltpu.VMEM((n_chunks, _CHUNK), jnp.int32),
            pltpu.VMEM((per_w,), jnp.float32),
            pltpu.SemaphoreType.DMA,
        ],
    )
    def k(col_hbm, in_hbm, out_hbm, in_v, idx_v, got_v, sem):
        wid = lax.axis_index("s") * NC + lax.axis_index("c")
        base = wid * per_w
        pltpu.sync_copy(in_hbm.at[pl.ds(base, per_w)], in_v)

        lane = lax.iota(jnp.int32, _LANES)
        copies = []
        for j in range(n_chunks):
            def step(i, _):
                off = j * _CHUNK + i * _LANES
                ids = in_v[pl.ds(off, _LANES)].astype(jnp.int32)
                p = base + off + lane
                f = lax.rem(p, F)
                idx_v[j, pl.ds(i * _LANES, _LANES)] = f * V + ids
                return 0

            lax.fori_loop(0, vecs_per_chunk, step, 0)
            copies.append(
                pltpu.async_copy(
                    col_hbm.at[idx_v.at[j]],
                    got_v.at[pl.ds(j * _CHUNK, _CHUNK)],
                    sem,
                )
            )
        for c in copies:
            c.wait()
        pltpu.sync_copy(got_v, out_hbm.at[pl.ds(base, per_w)])

    return k


def kernel(inputs, tables):
    B, F = inputs.shape
    Ft, V, D = tables.shape
    col0 = tables[:, :, 0].reshape(-1)
    out_flat = _build_gather(B, F, V)(col0, inputs.reshape(-1))
    return out_flat.reshape(B, F)

# --- scband reference (transcript-rebuilt; emitter-appended) ---
"""Pipeline reference for scband-multi-embedding-523986010228 (READ-ONLY COPY).

The authoritative reference and input builder live on the scoring server;
editing this copy changes nothing except your own understanding.
"""

import jax, jax.numpy as jnp
import numpy as np

EMBEDDING_INDICES = list(range(26))
BATCH = 4096
N_FIELDS = 26
VOCAB = 100000
EMBED_DIM = 32


def setup_inputs(seed: int = 0) -> dict:
    key = jax.random.key(seed)
    k1, k2 = jax.random.split(key)
    # inputs holds integer-valued floats in the embedding-index columns
    inputs = jax.random.randint(k1, (BATCH, N_FIELDS), 0, VOCAB).astype(jnp.float32)
    # one table per field, all same shape -> stack into [n_fields, vocab, dim]
    tables = jax.random.normal(k2, (N_FIELDS, VOCAB, EMBED_DIM), dtype=jnp.float32) * 0.02
    return {"inputs": inputs, "tables": tables}


def reference(inputs, tables):
    # Faithful translation of MultiEmbedding.forward:
    # for each (idx, embedding): read column idx (from the *mutated* tensor,
    # matching the in-place torch semantics), cast to int, gather the full
    # embedding row, then overwrite column idx with component 0 of the row.
    out = inputs
    for i, idx in enumerate(EMBEDDING_INDICES):
        ids = out[..., idx].astype(jnp.int32)
        emb = jnp.take(tables[i], ids, axis=0)  # [B, EMBED_DIM] gather
        out = out.at[..., idx].set(emb[..., 0])
    return out

if __name__ == "__main__":
    import jax
    _d = setup_inputs()
    print(jax.jit(kernel)(*tuple(_d.values())))

</pallas_src>

<mosaic_0001>
#map = affine_map<(d0, d1) -> (0)>
module attributes {stable_mosaic.version = 14 : i64} {
  func.func @k(%arg0: i32, %arg1: i32, %arg2: memref<2600000xf32, #tpu.memory_space<hbm>>, %arg3: memref<106496xf32, #tpu.memory_space<hbm>>, %arg4: memref<106496xf32, #tpu.memory_space<hbm>>, %arg5: memref<3328xf32, #tpu.memory_space<vmem>>, %arg6: memref<26x128xi32, #tpu.memory_space<vmem>>, %arg7: memref<3328xf32, #tpu.memory_space<vmem>>, %arg8: memref<!tpu.dma_semaphore, #tpu.memory_space<semaphore_mem>>) attributes {dimension_semantics = [#tpu.dimension_semantics<core_parallel>, #tpu.dimension_semantics<subcore_parallel>], iteration_bounds = array<i64: 2, 16>, scalar_prefetch = 0 : i64, scratch_operands = 4 : i64, tpu.core_type = #tpu.core_type<sc_vector_subcore>, window_params = [{transform_indices = #map}, {transform_indices = #map}, {transform_indices = #map}]} {
    %mul3A = arith.constant 2 : i32
    %mul3A_0 = arith.muli %arg1, %mul3A : i32
    %add3A = arith.addi %mul3A_0, %arg0 : i32
    %mul3A_1 = arith.constant 3328 : i32
    %mul3A_2 = arith.muli %add3A, %mul3A_1 : i32
    "tpu.region"() ({
      %run_scoped3A = tpu.sem_alloc : memref<!tpu.dma_semaphore, #tpu.memory_space<semaphore_mem>>
      %dma_start3A_598 = tpu.memref_slice %arg3[%mul3A_2] : memref<106496xf32, #tpu.memory_space<hbm>> -> memref<3328xf32, #tpu.memory_space<hbm>>
      %dma_start3A_599 = tpu.memref_slice %arg3[%mul3A_2] : memref<106496xf32, #tpu.memory_space<hbm>> -> memref<3328xf32, #tpu.memory_space<hbm>>
      tpu.enqueue_dma source(%dma_start3A_599 : memref<3328xf32, #tpu.memory_space<hbm>>) target(%arg5 : memref<3328xf32, #tpu.memory_space<vmem>>) target_semaphore(%run_scoped3A : memref<!tpu.dma_semaphore, #tpu.memory_space<semaphore_mem>>)
      %dma_wait3A_600 = tpu.memref_slice %arg3[%mul3A_2] : memref<106496xf32, #tpu.memory_space<hbm>> -> memref<3328xf32, #tpu.memory_space<hbm>>
      %dma_wait3A_601 = tpu.memref_slice %arg3[%mul3A_2] : memref<106496xf32, #tpu.memory_space<hbm>> -> memref<3328xf32, #tpu.memory_space<hbm>>
      tpu.wait_dma2 semaphore(%run_scoped3A : memref<!tpu.dma_semaphore, #tpu.memory_space<semaphore_mem>>) src(%dma_wait3A_601 : memref<3328xf32, #tpu.memory_space<hbm>>) dst(%arg5 : memref<3328xf32, #tpu.memory_space<vmem>>)
      tpu.yield
    }) : () -> ()
    %iota3A = tpu.iota {dimensions = array<i32: 0>} : vector<16xi32>
    %scan3A = arith.constant 0 : i32
    %scan3A_3 = arith.constant 0 : i32
    %scan3A_4 = arith.constant 8 : i32
    %scan3A_5 = arith.addi %scan3A_3, %scan3A_4 : i32
    %scan3A_6 = arith.constant 1 : i32
    %scan3A_7 = scf.for %scan3A_598 = %scan3A_3 to %scan3A_5 step %scan3A_6 iter_args(%scan3A_599 = %scan3A) -> (i32)  : i32 {
      %mul3A_600 = arith.constant 16 : i32
      %mul3A_601 = arith.muli %scan3A_598, %mul3A_600 : i32
      %add3A_602 = arith.constant 0 : i32
      %add3A_603 = arith.addi %add3A_602, %mul3A_601 : i32
      %get3A = arith.index_cast %add3A_603 : i32 to index
      %get3A_604 = tpu.vector_load %arg5[%get3A] {strides = array<i32>} : memref<3328xf32, #tpu.memory_space<vmem>>, vector<16xf32>,
      %get3A_605 = vector.shape_cast %get3A_604 : vector<16xf32> to vector<16xf32>
      %convert_element_type3A = arith.fptosi %get3A_605 : vector<16xf32> to vector<16xi32>
      %add3A_606 = arith.addi %mul3A_2, %add3A_603 : i32
      %add3A_607 = vector.broadcast %add3A_606 : i32 to vector<16xi32>
      %add3A_608 = arith.addi %add3A_607, %iota3A : vector<16xi32>
      %rem3A = arith.constant 26 : i32
      %rem3A_609 = vector.broadcast %rem3A : i32 to vector<16xi32>
      %rem3A_610 = arith.remsi %add3A_608, %rem3A_609 : vector<16xi32>
      %mul3A_611 = arith.constant 100000 : i32
      %mul3A_612 = vector.broadcast %mul3A_611 : i32 to vector<16xi32>
      %mul3A_613 = arith.muli %rem3A_610, %mul3A_612 : vector<16xi32>
      %add3A_614 = arith.addi %mul3A_613, %convert_element_type3A : vector<16xi32>
      %mul3A_615 = arith.constant 16 : i32
      %mul3A_616 = arith.muli %scan3A_598, %mul3A_615 : i32
      %swap3A = arith.constant 0 : i32
      %swap3A_617 = arith.index_cast %swap3A : i32 to index
      %swap3A_618 = arith.index_cast %mul3A_616 : i32 to index
      %swap3A_619 = tpu.vector_load %arg6[%swap3A_617, %swap3A_618] {strides = array<i32>} : memref<26x128xi32, #tpu.memory_space<vmem>>, vector<1x16xi32>,
      %swap3A_620 = vector.shape_cast %swap3A_619 : vector<1x16xi32> to vector<16xi32>
      %swap3A_621 = vector.shape_cast %add3A_614 : vector<16xi32> to vector<1x16xi32>
      tpu.vector_store %arg6[%swap3A_617, %swap3A_618], %swap3A_621 {strides = array<i32>} : memref<26x128xi32, #tpu.memory_space<vmem>>, vector<1x16xi32>,
      %scan3A_622 = arith.constant 0 : i32
      scf.yield %scan3A_622 : i32
    }
    %scan3A_8 = arith.constant 8 : i32
    %dma_start3A = arith.constant 0 : i32
    %dma_start3A_9 = arith.constant 0 : i32
    %dma_start3A_10 = tpu.memref_slice %arg7[%dma_start3A_9] : memref<3328xf32, #tpu.memory_space<vmem>> -> memref<128xf32, #tpu.memory_space<vmem>>
    %dma_start3A_11 = arith.constant 0 : i32
    %dma_start3A_12 = tpu.memref_slice %arg6[%dma_start3A, %dma_start3A_11] : memref<26x128xi32, #tpu.memory_space<vmem>> -> memref<1x128xi32, #tpu.memory_space<vmem>>
    %dma_start3A_13 = tpu.memref_squeeze %dma_start3A_12 : memref<1x128xi32, #tpu.memory_space<vmem>> -> memref<128xi32, #tpu.memory_space<vmem>>
    %dma_start3A_14 = arith.constant 0 : i32
    %dma_start3A_15 = tpu.memref_slice %arg2[%dma_start3A_14] : memref<2600000xf32, #tpu.memory_space<hbm>> -> memref<2600000xf32, #tpu.memory_space<hbm>>
    tpu.enqueue_indirect_dma source(%dma_start3A_15 : memref<2600000xf32, #tpu.memory_space<hbm>>) target(%dma_start3A_10 : memref<128xf32, #tpu.memory_space<vmem>>) offsets(%dma_start3A_13 : memref<128xi32, #tpu.memory_space<vmem>>) semaphore(%arg8 : memref<!tpu.dma_semaphore, #tpu.memory_space<semaphore_mem>>)
    %scan3A_16 = arith.constant 0 : i32
    %scan3A_17 = arith.constant 0 : i32
    %scan3A_18 = arith.constant 8 : i32
    %scan3A_19 = arith.addi %scan3A_17, %scan3A_18 : i32
    %scan3A_20 = arith.constant 1 : i32
    %scan3A_21 = scf.for %scan3A_598 = %scan3A_17 to %scan3A_19 step %scan3A_20 iter_args(%scan3A_599 = %scan3A_16) -> (i32)  : i32 {
      %mul3A_600 = arith.constant 16 : i32
      %mul3A_601 = arith.muli %scan3A_598, %mul3A_600 : i32
      %add3A_602 = arith.constant 128 : i32
      %add3A_603 = arith.addi %add3A_602, %mul3A_601 : i32
      %get3A = arith.index_cast %add3A_603 : i32 to index
      %get3A_604 = tpu.vector_load %arg5[%get3A] {strides = array<i32>} : memref<3328xf32, #tpu.memory_space<vmem>>, vector<16xf32>,
      %get3A_605 = vector.shape_cast %get3A_604 : vector<16xf32> to vector<16xf32>
      %convert_element_type3A = arith.fptosi %get3A_605 : vector<16xf32> to vector<16xi32>
      %add3A_606 = arith.addi %mul3A_2, %add3A_603 : i32
      %add3A_607 = vector.broadcast %add3A_606 : i32 to vector<16xi32>
      %add3A_608 = arith.addi %add3A_607, %iota3A : vector<16xi32>
      %rem3A = arith.constant 26 : i32
      %rem3A_609 = vector.broadcast %rem3A : i32 to vector<16xi32>
      %rem3A_610 = arith.remsi %add3A_608, %rem3A_609 : vector<16xi32>
      %mul3A_611 = arith.constant 100000 : i32
      %mul3A_612 = vector.broadcast %mul3A_611 : i32 to vector<16xi32>
      %mul3A_613 = arith.muli %rem3A_610, %mul3A_612 : vector<16xi32>
      %add3A_614 = arith.addi %mul3A_613, %convert_element_type3A : vector<16xi32>
      %mul3A_615 = arith.constant 16 : i32
      %mul3A_616 = arith.muli %scan3A_598, %mul3A_615 : i32
      %swap3A = arith.constant 1 : i32
      %swap3A_617 = arith.index_cast %swap3A : i32 to index
      %swap3A_618 = arith.index_cast %mul3A_616 : i32 to index
      %swap3A_619 = tpu.vector_load %arg6[%swap3A_617, %swap3A_618] {strides = array<i32>} : memref<26x128xi32, #tpu.memory_space<vmem>>, vector<1x16xi32>,
      %swap3A_620 = vector.shape_cast %swap3A_619 : vector<1x16xi32> to vector<16xi32>
      %swap3A_621 = vector.shape_cast %add3A_614 : vector<16xi32> to vector<1x16xi32>
      tpu.vector_store %arg6[%swap3A_617, %swap3A_618], %swap3A_621 {strides = array<i32>} : memref<26x128xi32, #tpu.memory_space<vmem>>, vector<1x16xi32>,
      %scan3A_622 = arith.constant 0 : i32
      scf.yield %scan3A_622 : i32
    }
    %scan3A_22 = arith.constant 8 : i32
    %dma_start3A_23 = arith.constant 1 : i32
    %dma_start3A_24 = arith.constant 128 : i32
    %dma_start3A_25 = tpu.memref_slice %arg7[%dma_start3A_24] : memref<3328xf32, #tpu.memory_space<vmem>> -> memref<128xf32, #tpu.memory_space<vmem>>
    %dma_start3A_26 = arith.constant 0 : i32
    %dma_start3A_27 = tpu.memref_slice %arg6[%dma_start3A_23, %dma_start3A_26] : memref<26x128xi32, #tpu.memory_space<vmem>> -> memref<1x128xi32, #tpu.memory_space<vmem>>
    %dma_start3A_28 = tpu.memref_squeeze %dma_start3A_27 : memref<1x128xi32, #tpu.memory_space<vmem>> -> memref<128xi32, #tpu.memory_space<vmem>>
    %dma_start3A_29 = arith.constant 0 : i32
    %dma_start3A_30 = tpu.memref_slice %arg2[%dma_start3A_29] : memref<2600000xf32, #tpu.memory_space<hbm>> -> memref<2600000xf32, #tpu.memory_space<hbm>>
    tpu.enqueue_indirect_dma source(%dma_start3A_30 : memref<2600000xf32, #tpu.memory_space<hbm>>) target(%dma_start3A_25 : memref<128xf32, #tpu.memory_space<vmem>>) offsets(%dma_start3A_28 : memref<128xi32, #tpu.memory_space<vmem>>) semaphore(%arg8 : memref<!tpu.dma_semaphore, #tpu.memory_space<semaphore_mem>>)
    %scan3A_31 = arith.constant 0 : i32
    %scan3A_32 = arith.constant 0 : i32
    %scan3A_33 = arith.constant 8 : i32
    %scan3A_34 = arith.addi %scan3A_32, %scan3A_33 : i32
    %scan3A_35 = arith.constant 1 : i32
    %scan3A_36 = scf.for %scan3A_598 = %scan3A_32 to %scan3A_34 step %scan3A_35 iter_args(%scan3A_599 = %scan3A_31) -> (i32)  : i32 {
      %mul3A_600 = arith.constant 16 : i32
      %mul3A_601 = arith.muli %scan3A_598, %mul3A_600 : i32
      %add3A_602 = arith.constant 256 : i32
      %add3A_603 = arith.addi %add3A_602, %mul3A_601 : i32
      %get3A = arith.index_cast %add3A_603 : i32 to index
      %get3A_604 = tpu.vector_load %arg5[%get3A] {strides = array<i32>} : memref<3328xf32, #tpu.memory_space<vmem>>, vector<16xf32>,
      %get3A_605 = vector.shape_cast %get3A_604 : vector<16xf32> to vector<16xf32>
      %convert_element_type3A = arith.fptosi %get3A_605 : vector<16xf32> to vector<16xi32>
      %add3A_606 = arith.addi %mul3A_2, %add3A_603 : i32
      %add3A_607 = vector.broadcast %add3A_606 : i32 to vector<16xi32>
      %add3A_608 = arith.addi %add3A_607, %iota3A : vector<16xi32>
      %rem3A = arith.constant 26 : i32
      %rem3A_609 = vector.broadcast %rem3A : i32 to vector<16xi32>
      %rem3A_610 = arith.remsi %add3A_608, %rem3A_609 : vector<16xi32>
      %mul3A_611 = arith.constant 100000 : i32
      %mul3A_612 = vector.broadcast %mul3A_611 : i32 to vector<16xi32>
      %mul3A_613 = arith.muli %rem3A_610, %mul3A_612 : vector<16xi32>
      %add3A_614 = arith.addi %mul3A_613, %convert_element_type3A : vector<16xi32>
      %mul3A_615 = arith.constant 16 : i32
      %mul3A_616 = arith.muli %scan3A_598, %mul3A_615 : i32
      %swap3A = arith.constant 2 : i32
      %swap3A_617 = arith.index_cast %swap3A : i32 to index
      %swap3A_618 = arith.index_cast %mul3A_616 : i32 to index
      %swap3A_619 = tpu.vector_load %arg6[%swap3A_617, %swap3A_618] {strides = array<i32>} : memref<26x128xi32, #tpu.memory_space<vmem>>, vector<1x16xi32>,
      %swap3A_620 = vector.shape_cast %swap3A_619 : vector<1x16xi32> to vector<16xi32>
      %swap3A_621 = vector.shape_cast %add3A_614 : vector<16xi32> to vector<1x16xi32>
      tpu.vector_store %arg6[%swap3A_617, %swap3A_618], %swap3A_621 {strides = array<i32>} : memref<26x128xi32, #tpu.memory_space<vmem>>, vector<1x16xi32>,
      %scan3A_622 = arith.constant 0 : i32
      scf.yield %scan3A_622 : i32
    }
    %scan3A_37 = arith.constant 8 : i32
    %dma_start3A_38 = arith.constant 2 : i32
    %dma_start3A_39 = arith.constant 256 : i32
    %dma_start3A_40 = tpu.memref_slice %arg7[%dma_start3A_39] : memref<3328xf32, #tpu.memory_space<vmem>> -> memref<128xf32, #tpu.memory_space<vmem>>
    %dma_start3A_41 = arith.constant 0 : i32
    %dma_start3A_42 = tpu.memref_slice %arg6[%dma_start3A_38, %dma_start3A_41] : memref<26x128xi32, #tpu.memory_space<vmem>> -> memref<1x128xi32, #tpu.memory_space<vmem>>
    %dma_start3A_43 = tpu.memref_squeeze %dma_start3A_42 : memref<1x128xi32, #tpu.memory_space<vmem>> -> memref<128xi32, #tpu.memory_space<vmem>>
    %dma_start3A_44 = arith.constant 0 : i32
    %dma_start3A_45 = tpu.memref_slice %arg2[%dma_start3A_44] : memref<2600000xf32, #tpu.memory_space<hbm>> -> memref<2600000xf32, #tpu.memory_space<hbm>>
    tpu.enqueue_indirect_dma source(%dma_start3A_45 : memref<2600000xf32, #tpu.memory_space<hbm>>) target(%dma_start3A_40 : memref<128xf32, #tpu.memory_space<vmem>>) offsets(%dma_start3A_43 : memref<128xi32, #tpu.memory_space<vmem>>) semaphore(%arg8 : memref<!tpu.dma_semaphore, #tpu.memory_space<semaphore_mem>>)
    %scan3A_46 = arith.constant 0 : i32
    %scan3A_47 = arith.constant 0 : i32
    %scan3A_48 = arith.constant 8 : i32
    %scan3A_49 = arith.addi %scan3A_47, %scan3A_48 : i32
    %scan3A_50 = arith.constant 1 : i32
    %scan3A_51 = scf.for %scan3A_598 = %scan3A_47 to %scan3A_49 step %scan3A_50 iter_args(%scan3A_599 = %scan3A_46) -> (i32)  : i32 {
      %mul3A_600 = arith.constant 16 : i32
      %mul3A_601 = arith.muli %scan3A_598, %mul3A_600 : i32
      %add3A_602 = arith.constant 384 : i32
      %add3A_603 = arith.addi %add3A_602, %mul3A_601 : i32
      %get3A = arith.index_cast %add3A_603 : i32 to index
      %get3A_604 = tpu.vector_load %arg5[%get3A] {strides = array<i32>} : memref<3328xf32, #tpu.memory_space<vmem>>, vector<16xf32>,
      %get3A_605 = vector.shape_cast %get3A_604 : vector<16xf32> to vector<16xf32>
      %convert_element_type3A = arith.fptosi %get3A_605 : vector<16xf32> to vector<16xi32>
      %add3A_606 = arith.addi %mul3A_2, %add3A_603 : i32
      %add3A_607 = vector.broadcast %add3A_606 : i32 to vector<16xi32>
      %add3A_608 = arith.addi %add3A_607, %iota3A : vector<16xi32>
      %rem3A = arith.constant 26 : i32
      %rem3A_609 = vector.broadcast %rem3A : i32 to vector<16xi32>
      %rem3A_610 = arith.remsi %add3A_608, %rem3A_609 : vector<16xi32>
      %mul3A_611 = arith.constant 100000 : i32
      %mul3A_612 = vector.broadcast %mul3A_611 : i32 to vector<16xi32>
      %mul3A_613 = arith.muli %rem3A_610, %mul3A_612 : vector<16xi32>
      %add3A_614 = arith.addi %mul3A_613, %convert_element_type3A : vector<16xi32>
      %mul3A_615 = arith.constant 16 : i32
      %mul3A_616 = arith.muli %scan3A_598, %mul3A_615 : i32
      %swap3A = arith.constant 3 : i32
      %swap3A_617 = arith.index_cast %swap3A : i32 to index
      %swap3A_618 = arith.index_cast %mul3A_616 : i32 to index
      %swap3A_619 = tpu.vector_load %arg6[%swap3A_617, %swap3A_618] {strides = array<i32>} : memref<26x128xi32, #tpu.memory_space<vmem>>, vector<1x16xi32>,
      %swap3A_620 = vector.shape_cast %swap3A_619 : vector<1x16xi32> to vector<16xi32>
      %swap3A_621 = vector.shape_cast %add3A_614 : vector<16xi32> to vector<1x16xi32>
      tpu.vector_store %arg6[%swap3A_617, %swap3A_618], %swap3A_621 {strides = array<i32>} : memref<26x128xi32, #tpu.memory_space<vmem>>, vector<1x16xi32>,
      %scan3A_622 = arith.constant 0 : i32
      scf.yield %scan3A_622 : i32
    }
    %scan3A_52 = arith.constant 8 : i32
    %dma_start3A_53 = arith.constant 3 : i32
    %dma_start3A_54 = arith.constant 384 : i32
    %dma_start3A_55 = tpu.memref_slice %arg7[%dma_start3A_54] : memref<3328xf32, #tpu.memory_space<vmem>> -> memref<128xf32, #tpu.memory_space<vmem>>
    %dma_start3A_56 = arith.constant 0 : i32
    %dma_start3A_57 = tpu.memref_slice %arg6[%dma_start3A_53, %dma_start3A_56] : memref<26x128xi32, #tpu.memory_space<vmem>> -> memref<1x128xi32, #tpu.memory_space<vmem>>
    %dma_start3A_58 = tpu.memref_squeeze %dma_start3A_57 : memref<1x128xi32, #tpu.memory_space<vmem>> -> memref<128xi32, #tpu.memory_space<vmem>>
    %dma_start3A_59 = arith.constant 0 : i32
    %dma_start3A_60 = tpu.memref_slice %arg2[%dma_start3A_59] : memref<2600000xf32, #tpu.memory_space<hbm>> -> memref<2600000xf32, #tpu.memory_space<hbm>>
    tpu.enqueue_indirect_dma source(%dma_start3A_60 : memref<2600000xf32, #tpu.memory_space<hbm>>) target(%dma_start3A_55 : memref<128xf32, #tpu.memory_space<vmem>>) offsets(%dma_start3A_58 : memref<128xi32, #tpu.memory_space<vmem>>) semaphore(%arg8 : memref<!tpu.dma_semaphore, #tpu.memory_space<semaphore_mem>>)
    %scan3A_61 = arith.constant 0 : i32
    %scan3A_62 = arith.constant 0 : i32
    %scan3A_63 = arith.constant 8 : i32
    %scan3A_64 = arith.addi %scan3A_62, %scan3A_63 : i32
    %scan3A_65 = arith.constant 1 : i32
    %scan3A_66 = scf.for %scan3A_598 = %scan3A_62 to %scan3A_64 step %scan3A_65 iter_args(%scan3A_599 = %scan3A_61) -> (i32)  : i32 {
      %mul3A_600 = arith.constant 16 : i32
      %mul3A_601 = arith.muli %scan3A_598, %mul3A_600 : i32
      %add3A_602 = arith.constant 512 : i32
      %add3A_603 = arith.addi %add3A_602, %mul3A_601 : i32
      %get3A = arith.index_cast %add3A_603 : i32 to index
      %get3A_604 = tpu.vector_load %arg5[%get3A] {strides = array<i32>} : memref<3328xf32, #tpu.memory_space<vmem>>, vector<16xf32>,
      %get3A_605 = vector.shape_cast %get3A_604 : vector<16xf32> to vector<16xf32>
      %convert_element_type3A = arith.fptosi %get3A_605 : vector<16xf32> to vector<16xi32>
      %add3A_606 = arith.addi %mul3A_2, %add3A_603 : i32
      %add3A_607 = vector.broadcast %add3A_606 : i32 to vector<16xi32>
      %add3A_608 = arith.addi %add3A_607, %iota3A : vector<16xi32>
      %rem3A = arith.constant 26 : i32
      %rem3A_609 = vector.broadcast %rem3A : i32 to vector<16xi32>
      %rem3A_610 = arith.remsi %add3A_608, %rem3A_609 : vector<16xi32>
      %mul3A_611 = arith.constant 100000 : i32
      %mul3A_612 = vector.broadcast %mul3A_611 : i32 to vector<16xi32>
      %mul3A_613 = arith.muli %rem3A_610, %mul3A_612 : vector<16xi32>
      %add3A_614 = arith.addi %mul3A_613, %convert_element_type3A : vector<16xi32>
      %mul3A_615 = arith.constant 16 : i32
      %mul3A_616 = arith.muli %scan3A_598, %mul3A_615 : i32
      %swap3A = arith.constant 4 : i32
      %swap3A_617 = arith.index_cast %swap3A : i32 to index
      %swap3A_618 = arith.index_cast %mul3A_616 : i32 to index
      %swap3A_619 = tpu.vector_load %arg6[%swap3A_617, %swap3A_618] {strides = array<i32>} : memref<26x128xi32, #tpu.memory_space<vmem>>, vector<1x16xi32>,
      %swap3A_620 = vector.shape_cast %swap3A_619 : vector<1x16xi32> to vector<16xi32>
      %swap3A_621 = vector.shape_cast %add3A_614 : vector<16xi32> to vector<1x16xi32>
      tpu.vector_store %arg6[%swap3A_617, %swap3A_618], %swap3A_621 {strides = array<i32>} : memref<26x128xi32, #tpu.memory_space<vmem>>, vector<1x16xi32>,
      %scan3A_622 = arith.constant 0 : i32
      scf.yield %scan3A_622 : i32
    }
    %scan3A_67 = arith.constant 8 : i32
    %dma_start3A_68 = arith.constant 4 : i32
    %dma_start3A_69 = arith.constant 512 : i32
    %dma_start3A_70 = tpu.memref_slice %arg7[%dma_start3A_69] : memref<3328xf32, #tpu.memory_space<vmem>> -> memref<128xf32, #tpu.memory_space<vmem>>
    %dma_start3A_71 = arith.constant 0 : i32
    %dma_start3A_72 = tpu.memref_slice %arg6[%dma_start3A_68, %dma_start3A_71] : memref<26x128xi32, #tpu.memory_space<vmem>> -> memref<1x128xi32, #tpu.memory_space<vmem>>
    %dma_start3A_73 = tpu.memref_squeeze %dma_start3A_72 : memref<1x128xi32, #tpu.memory_space<vmem>> -> memref<128xi32, #tpu.memory_space<vmem>>
    %dma_start3A_74 = arith.constant 0 : i32
    %dma_start3A_75 = tpu.memref_slice %arg2[%dma_start3A_74] : memref<2600000xf32, #tpu.memory_space<hbm>> -> memref<2600000xf32, #tpu.memory_space<hbm>>
    tpu.enqueue_indirect_dma source(%dma_start3A_75 : memref<2600000xf32, #tpu.memory_space<hbm>>) target(%dma_start3A_70 : memref<128xf32, #tpu.memory_space<vmem>>) offsets(%dma_start3A_73 : memref<128xi32, #tpu.memory_space<vmem>>) semaphore(%arg8 : memref<!tpu.dma_semaphore, #tpu.memory_space<semaphore_mem>>)
    %scan3A_76 = arith.constant 0 : i32
    %scan3A_77 = arith.constant 0 : i32
    %scan3A_78 = arith.constant 8 : i32
    %scan3A_79 = arith.addi %scan3A_77, %scan3A_78 : i32
    %scan3A_80 = arith.constant 1 : i32
    %scan3A_81 = scf.for %scan3A_598 = %scan3A_77 to %scan3A_79 step %scan3A_80 iter_args(%scan3A_599 = %scan3A_76) -> (i32)  : i32 {
      %mul3A_600 = arith.constant 16 : i32
      %mul3A_601 = arith.muli %scan3A_598, %mul3A_600 : i32
      %add3A_602 = arith.constant 640 : i32
      %add3A_603 = arith.addi %add3A_602, %mul3A_601 : i32
      %get3A = arith.index_cast %add3A_603 : i32 to index
      %get3A_604 = tpu.vector_load %arg5[%get3A] {strides = array<i32>} : memref<3328xf32, #tpu.memory_space<vmem>>, vector<16xf32>,
      %get3A_605 = vector.shape_cast %get3A_604 : vector<16xf32> to vector<16xf32>
      %convert_element_type3A = arith.fptosi %get3A_605 : vector<16xf32> to vector<16xi32>
      %add3A_606 = arith.addi %mul3A_2, %add3A_603 : i32
      %add3A_607 = vector.broadcast %add3A_606 : i32 to vector<16xi32>
      %add3A_608 = arith.addi %add3A_607, %iota3A : vector<16xi32>
      %rem3A = arith.constant 26 : i32
      %rem3A_609 = vector.broadcast %rem3A : i32 to vector<16xi32>
      %rem3A_610 = arith.remsi %add3A_608, %rem3A_609 : vector<16xi32>
      %mul3A_611 = arith.constant 100000 : i32
      %mul3A_612 = vector.broadcast %mul3A_611 : i32 to vector<16xi32>
      %mul3A_613 = arith.muli %rem3A_610, %mul3A_612 : vector<16xi32>
      %add3A_614 = arith.addi %mul3A_613, %convert_element_type3A : vector<16xi32>
      %mul3A_615 = arith.constant 16 : i32
      %mul3A_616 = arith.muli %scan3A_598, %mul3A_615 : i32
      %swap3A = arith.constant 5 : i32
      %swap3A_617 = arith.index_cast %swap3A : i32 to index
      %swap3A_618 = arith.index_cast %mul3A_616 : i32 to index
      %swap3A_619 = tpu.vector_load %arg6[%swap3A_617, %swap3A_618] {strides = array<i32>} : memref<26x128xi32, #tpu.memory_space<vmem>>, vector<1x16xi32>,
      %swap3A_620 = vector.shape_cast %swap3A_619 : vector<1x16xi32> to vector<16xi32>
      %swap3A_621 = vector.shape_cast %add3A_614 : vector<16xi32> to vector<1x16xi32>
      tpu.vector_store %arg6[%swap3A_617, %swap3A_618], %swap3A_621 {strides = array<i32>} : memref<26x128xi32, #tpu.memory_space<vmem>>, vector<1x16xi32>,
      %scan3A_622 = arith.constant 0 : i32
      scf.yield %scan3A_622 : i32
    }
    %scan3A_82 = arith.constant 8 : i32
    %dma_start3A_83 = arith.constant 5 : i32
    %dma_start3A_84 = arith.constant 640 : i32
    %dma_start3A_85 = tpu.memref_slice %arg7[%dma_start3A_84] : memref<3328xf32, #tpu.memory_space<vmem>> -> memref<128xf32, #tpu.memory_space<vmem>>
    %dma_start3A_86 = arith.constant 0 : i32
    %dma_start3A_87 = tpu.memref_slice %arg6[%dma_start3A_83, %dma_start3A_86] : memref<26x128xi32, #tpu.memory_space<vmem>> -> memref<1x128xi32, #tpu.memory_space<vmem>>
    %dma_start3A_88 = tpu.memref_squeeze %dma_start3A_87 : memref<1x128xi32, #tpu.memory_space<vmem>> -> memref<128xi32, #tpu.memory_space<vmem>>
    %dma_start3A_89 = arith.constant 0 : i32
    %dma_start3A_90 = tpu.memref_slice %arg2[%dma_start3A_89] : memref<2600000xf32, #tpu.memory_space<hbm>> -> memref<2600000xf32, #tpu.memory_space<hbm>>
    tpu.enqueue_indirect_dma source(%dma_start3A_90 : memref<2600000xf32, #tpu.memory_space<hbm>>) target(%dma_start3A_85 : memref<128xf32, #tpu.memory_space<vmem>>) offsets(%dma_start3A_88 : memref<128xi32, #tpu.memory_space<vmem>>) semaphore(%arg8 : memref<!tpu.dma_semaphore, #tpu.memory_space<semaphore_mem>>)
    %scan3A_91 = arith.constant 0 : i32
    %scan3A_92 = arith.constant 0 : i32
    %scan3A_93 = arith.constant 8 : i32
    %scan3A_94 = arith.addi %scan3A_92, %scan3A_93 : i32
    %scan3A_95 = arith.constant 1 : i32
    %scan3A_96 = scf.for %scan3A_598 = %scan3A_92 to %scan3A_94 step %scan3A_95 iter_args(%scan3A_599 = %scan3A_91) -> (i32)  : i32 {
      %mul3A_600 = arith.constant 16 : i32
      %mul3A_601 = arith.muli %scan3A_598, %mul3A_600 : i32
      %add3A_602 = arith.constant 768 : i32
      %add3A_603 = arith.addi %add3A_602, %mul3A_601 : i32
      %get3A = arith.index_cast %add3A_603 : i32 to index
      %get3A_604 = tpu.vector_load %arg5[%get3A] {strides = array<i32>} : memref<3328xf32, #tpu.memory_space<vmem>>, vector<16xf32>,
      %get3A_605 = vector.shape_cast %get3A_604 : vector<16xf32> to vector<16xf32>
      %convert_element_type3A = arith.fptosi %get3A_605 : vector<16xf32> to vector<16xi32>
      %add3A_606 = arith.addi %mul3A_2, %add3A_603 : i32
      %add3A_607 = vector.broadcast %add3A_606 : i32 to vector<16xi32>
      %add3A_608 = arith.addi %add3A_607, %iota3A : vector<16xi32>
      %rem3A = arith.constant 26 : i32
      %rem3A_609 = vector.broadcast %rem3A : i32 to vector<16xi32>
      %rem3A_610 = arith.remsi %add3A_608, %rem3A_609 : vector<16xi32>
      %mul3A_611 = arith.constant 100000 : i32
      %mul3A_612 = vector.broadcast %mul3A_611 : i32 to vector<16xi32>
      %mul3A_613 = arith.muli %rem3A_610, %mul3A_612 : vector<16xi32>
      %add3A_614 = arith.addi %mul3A_613, %convert_element_type3A : vector<16xi32>
      %mul3A_615 = arith.constant 16 : i32
      %mul3A_616 = arith.muli %scan3A_598, %mul3A_615 : i32
      %swap3A = arith.constant 6 : i32
      %swap3A_617 = arith.index_cast %swap3A : i32 to index
      %swap3A_618 = arith.index_cast %mul3A_616 : i32 to index
      %swap3A_619 = tpu.vector_load %arg6[%swap3A_617, %swap3A_618] {strides = array<i32>} : memref<26x128xi32, #tpu.memory_space<vmem>>, vector<1x16xi32>,
      %swap3A_620 = vector.shape_cast %swap3A_619 : vector<1x16xi32> to vector<16xi32>
      %swap3A_621 = vector.shape_cast %add3A_614 : vector<16xi32> to vector<1x16xi32>
      tpu.vector_store %arg6[%swap3A_617, %swap3A_618], %swap3A_621 {strides = array<i32>} : memref<26x128xi32, #tpu.memory_space<vmem>>, vector<1x16xi32>,
      %scan3A_622 = arith.constant 0 : i32
      scf.yield %scan3A_622 : i32
    }
    %scan3A_97 = arith.constant 8 : i32
    %dma_start3A_98 = arith.constant 6 : i32
    %dma_start3A_99 = arith.constant 768 : i32
    %dma_start3A_100 = tpu.memref_slice %arg7[%dma_start3A_99] : memref<3328xf32, #tpu.memory_space<vmem>> -> memref<128xf32, #tpu.memory_space<vmem>>
    %dma_start3A_101 = arith.constant 0 : i32
    %dma_start3A_102 = tpu.memref_slice %arg6[%dma_start3A_98, %dma_start3A_101] : memref<26x128xi32, #tpu.memory_space<vmem>> -> memref<1x128xi32, #tpu.memory_space<vmem>>
    %dma_start3A_103 = tpu.memref_squeeze %dma_start3A_102 : memref<1x128xi32, #tpu.memory_space<vmem>> -> memref<128xi32, #tpu.memory_space<vmem>>
    %dma_start3A_104 = arith.constant 0 : i32
    %dma_start3A_105 = tpu.memref_slice %arg2[%dma_start3A_104] : memref<2600000xf32, #tpu.memory_space<hbm>> -> memref<2600000xf32, #tpu.memory_space<hbm>>
    tpu.enqueue_indirect_dma source(%dma_start3A_105 : memref<2600000xf32, #tpu.memory_space<hbm>>) target(%dma_start3A_100 : memref<128xf32, #tpu.memory_space<vmem>>) offsets(%dma_start3A_103 : memref<128xi32, #tpu.memory_space<vmem>>) semaphore(%arg8 : memref<!tpu.dma_semaphore, #tpu.memory_space<semaphore_mem>>)
    %scan3A_106 = arith.constant 0 : i32
    %scan3A_107 = arith.constant 0 : i32
    %scan3A_108 = arith.constant 8 : i32
    %scan3A_109 = arith.addi %scan3A_107, %scan3A_108 : i32
    %scan3A_110 = arith.constant 1 : i32
    %scan3A_111 = scf.for %scan3A_598 = %scan3A_107 to %scan3A_109 step %scan3A_110 iter_args(%scan3A_599 = %scan3A_106) -> (i32)  : i32 {
      %mul3A_600 = arith.constant 16 : i32
      %mul3A_601 = arith.muli %scan3A_598, %mul3A_600 : i32
      %add3A_602 = arith.constant 896 : i32
      %add3A_603 = arith.addi %add3A_602, %mul3A_601 : i32
      %get3A = arith.index_cast %add3A_603 : i32 to index
      %get3A_604 = tpu.vector_load %arg5[%get3A] {strides = array<i32>} : memref<3328xf32, #tpu.memory_space<vmem>>, vector<16xf32>,
      %get3A_605 = vector.shape_cast %get3A_604 : vector<16xf32> to vector<16xf32>
      %convert_element_type3A = arith.fptosi %get3A_605 : vector<16xf32> to vector<16xi32>
      %add3A_606 = arith.addi %mul3A_2, %add3A_603 : i32
      %add3A_607 = vector.broadcast %add3A_606 : i32 to vector<16xi32>
      %add3A_608 = arith.addi %add3A_607, %iota3A : vector<16xi32>
      %rem3A = arith.constant 26 : i32
      %rem3A_609 = vector.broadcast %rem3A : i32 to vector<16xi32>
      %rem3A_610 = arith.remsi %add3A_608, %rem3A_609 : vector<16xi32>
      %mul3A_611 = arith.constant 100000 : i32
      %mul3A_612 = vector.broadcast %mul3A_611 : i32 to vector<16xi32>
      %mul3A_613 = arith.muli %rem3A_610, %mul3A_612 : vector<16xi32>
      %add3A_614 = arith.addi %mul3A_613, %convert_element_type3A : vector<16xi32>
      %mul3A_615 = arith.constant 16 : i32
      %mul3A_616 = arith.muli %scan3A_598, %mul3A_615 : i32
      %swap3A = arith.constant 7 : i32
      %swap3A_617 = arith.index_cast %swap3A : i32 to index
      %swap3A_618 = arith.index_cast %mul3A_616 : i32 to index
      %swap3A_619 = tpu.vector_load %arg6[%swap3A_617, %swap3A_618] {strides = array<i32>} : memref<26x128xi32, #tpu.memory_space<vmem>>, vector<1x16xi32>,
      %swap3A_620 = vector.shape_cast %swap3A_619 : vector<1x16xi32> to vector<16xi32>
      %swap3A_621 = vector.shape_cast %add3A_614 : vector<16xi32> to vector<1x16xi32>
      tpu.vector_store %arg6[%swap3A_617, %swap3A_618], %swap3A_621 {strides = array<i32>} : memref<26x128xi32, #tpu.memory_space<vmem>>, vector<1x16xi32>,
      %scan3A_622 = arith.constant 0 : i32
      scf.yield %scan3A_622 : i32
    }
    %scan3A_112 = arith.constant 8 : i32
    %dma_start3A_113 = arith.constant 7 : i32
    %dma_start3A_114 = arith.constant 896 : i32
    %dma_start3A_115 = tpu.memref_slice %arg7[%dma_start3A_114] : memref<3328xf32, #tpu.memory_space<vmem>> -> memref<128xf32, #tpu.memory_space<vmem>>
    %dma_start3A_116 = arith.constant 0 : i32
    %dma_start3A_117 = tpu.memref_slice %arg6[%dma_start3A_113, %dma_start3A_116] : memref<26x128xi32, #tpu.memory_space<vmem>> -> memref<1x128xi32, #tpu.memory_space<vmem>>
    %dma_start3A_118 = tpu.memref_squeeze %dma_start3A_117 : memref<1x128xi32, #tpu.memory_space<vmem>> -> memref<128xi32, #tpu.memory_space<vmem>>
    %dma_start3A_119 = arith.constant 0 : i32
    %dma_start3A_120 = tpu.memref_slice %arg2[%dma_start3A_119] : memref<2600000xf32, #tpu.memory_space<hbm>> -> memref<2600000xf32, #tpu.memory_space<hbm>>
    tpu.enqueue_indirect_dma source(%dma_start3A_120 : memref<2600000xf32, #tpu.memory_space<hbm>>) target(%dma_start3A_115 : memref<128xf32, #tpu.memory_space<vmem>>) offsets(%dma_start3A_118 : memref<128xi32, #tpu.memory_space<vmem>>) semaphore(%arg8 : memref<!tpu.dma_semaphore, #tpu.memory_space<semaphore_mem>>)
    %scan3A_121 = arith.constant 0 : i32
    %scan3A_122 = arith.constant 0 : i32
    %scan3A_123 = arith.constant 8 : i32
    %scan3A_124 = arith.addi %scan3A_122, %scan3A_123 : i32
    %scan3A_125 = arith.constant 1 : i32
    %scan3A_126 = scf.for %scan3A_598 = %scan3A_122 to %scan3A_124 step %scan3A_125 iter_args(%scan3A_599 = %scan3A_121) -> (i32)  : i32 {
      %mul3A_600 = arith.constant 16 : i32
      %mul3A_601 = arith.muli %scan3A_598, %mul3A_600 : i32
      %add3A_602 = arith.constant 1024 : i32
      %add3A_603 = arith.addi %add3A_602, %mul3A_601 : i32
      %get3A = arith.index_cast %add3A_603 : i32 to index
      %get3A_604 = tpu.vector_load %arg5[%get3A] {strides = array<i32>} : memref<3328xf32, #tpu.memory_space<vmem>>, vector<16xf32>,
      %get3A_605 = vector.shape_cast %get3A_604 : vector<16xf32> to vector<16xf32>
      %convert_element_type3A = arith.fptosi %get3A_605 : vector<16xf32> to vector<16xi32>
      %add3A_606 = arith.addi %mul3A_2, %add3A_603 : i32
      %add3A_607 = vector.broadcast %add3A_606 : i32 to vector<16xi32>
      %add3A_608 = arith.addi %add3A_607, %iota3A : vector<16xi32>
      %rem3A = arith.constant 26 : i32
      %rem3A_609 = vector.broadcast %rem3A : i32 to vector<16xi32>
      %rem3A_610 = arith.remsi %add3A_608, %rem3A_609 : vector<16xi32>
      %mul3A_611 = arith.constant 100000 : i32
      %mul3A_612 = vector.broadcast %mul3A_611 : i32 to vector<16xi32>
      %mul3A_613 = arith.muli %rem3A_610, %mul3A_612 : vector<16xi32>
      %add3A_614 = arith.addi %mul3A_613, %convert_element_type3A : vector<16xi32>
      %mul3A_615 = arith.constant 16 : i32
      %mul3A_616 = arith.muli %scan3A_598, %mul3A_615 : i32
      %swap3A = arith.constant 8 : i32
      %swap3A_617 = arith.index_cast %swap3A : i32 to index
      %swap3A_618 = arith.index_cast %mul3A_616 : i32 to index
      %swap3A_619 = tpu.vector_load %arg6[%swap3A_617, %swap3A_618] {strides = array<i32>} : memref<26x128xi32, #tpu.memory_space<vmem>>, vector<1x16xi32>,
      %swap3A_620 = vector.shape_cast %swap3A_619 : vector<1x16xi32> to vector<16xi32>
      %swap3A_621 = vector.shape_cast %add3A_614 : vector<16xi32> to vector<1x16xi32>
      tpu.vector_store %arg6[%swap3A_617, %swap3A_618], %swap3A_621 {strides = array<i32>} : memref<26x128xi32, #tpu.memory_space<vmem>>, vector<1x16xi32>,
      %scan3A_622 = arith.constant 0 : i32
      scf.yield %scan3A_622 : i32
    }
    %scan3A_127 = arith.constant 8 : i32
    %dma_start3A_128 = arith.constant 8 : i32
    %dma_start3A_129 = arith.constant 1024 : i32
    %dma_start3A_130 = tpu.memref_slice %arg7[%dma_start3A_129] : memref<3328xf32, #tpu.memory_space<vmem>> -> memref<128xf32, #tpu.memory_space<vmem>>
    %dma_start3A_131 = arith.constant 0 : i32
    %dma_start3A_132 = tpu.memref_slice %arg6[%dma_start3A_128, %dma_start3A_131] : memref<26x128xi32, #tpu.memory_space<vmem>> -> memref<1x128xi32, #tpu.memory_space<vmem>>
    %dma_start3A_133 = tpu.memref_squeeze %dma_start3A_132 : memref<1x128xi32, #tpu.memory_space<vmem>> -> memref<128xi32, #tpu.memory_space<vmem>>
    %dma_start3A_134 = arith.constant 0 : i32
    %dma_start3A_135 = tpu.memref_slice %arg2[%dma_start3A_134] : memref<2600000xf32, #tpu.memory_space<hbm>> -> memref<2600000xf32, #tpu.memory_space<hbm>>
    tpu.enqueue_indirect_dma source(%dma_start3A_135 : memref<2600000xf32, #tpu.memory_space<hbm>>) target(%dma_start3A_130 : memref<128xf32, #tpu.memory_space<vmem>>) offsets(%dma_start3A_133 : memref<128xi32, #tpu.memory_space<vmem>>) semaphore(%arg8 : memref<!tpu.dma_semaphore, #tpu.memory_space<semaphore_mem>>)
    %scan3A_136 = arith.constant 0 : i32
    %scan3A_137 = arith.constant 0 : i32
    %scan3A_138 = arith.constant 8 : i32
    %scan3A_139 = arith.addi %scan3A_137, %scan3A_138 : i32
    %scan3A_140 = arith.constant 1 : i32
    %scan3A_141 = scf.for %scan3A_598 = %scan3A_137 to %scan3A_139 step %scan3A_140 iter_args(%scan3A_599 = %scan3A_136) -> (i32)  : i32 {
      %mul3A_600 = arith.constant 16 : i32
      %mul3A_601 = arith.muli %scan3A_598, %mul3A_600 : i32
      %add3A_602 = arith.constant 1152 : i32
      %add3A_603 = arith.addi %add3A_602, %mul3A_601 : i32
      %get3A = arith.index_cast %add3A_603 : i32 to index
      %get3A_604 = tpu.vector_load %arg5[%get3A] {strides = array<i32>} : memref<3328xf32, #tpu.memory_space<vmem>>, vector<16xf32>,
      %get3A_605 = vector.shape_cast %get3A_604 : vector<16xf32> to vector<16xf32>
      %convert_element_type3A = arith.fptosi %get3A_605 : vector<16xf32> to vector<16xi32>
      %add3A_606 = arith.addi %mul3A_2, %add3A_603 : i32
      %add3A_607 = vector.broadcast %add3A_606 : i32 to vector<16xi32>
      %add3A_608 = arith.addi %add3A_607, %iota3A : vector<16xi32>
      %rem3A = arith.constant 26 : i32
      %rem3A_609 = vector.broadcast %rem3A : i32 to vector<16xi32>
      %rem3A_610 = arith.remsi %add3A_608, %rem3A_609 : vector<16xi32>
      %mul3A_611 = arith.constant 100000 : i32
      %mul3A_612 = vector.broadcast %mul3A_611 : i32 to vector<16xi32>
      %mul3A_613 = arith.muli %rem3A_610, %mul3A_612 : vector<16xi32>
      %add3A_614 = arith.addi %mul3A_613, %convert_element_type3A : vector<16xi32>
      %mul3A_615 = arith.constant 16 : i32
      %mul3A_616 = arith.muli %scan3A_598, %mul3A_615 : i32
      %swap3A = arith.constant 9 : i32
      %swap3A_617 = arith.index_cast %swap3A : i32 to index
      %swap3A_618 = arith.index_cast %mul3A_616 : i32 to index
      %swap3A_619 = tpu.vector_load %arg6[%swap3A_617, %swap3A_618] {strides = array<i32>} : memref<26x128xi32, #tpu.memory_space<vmem>>, vector<1x16xi32>,
      %swap3A_620 = vector.shape_cast %swap3A_619 : vector<1x16xi32> to vector<16xi32>
      %swap3A_621 = vector.shape_cast %add3A_614 : vector<16xi32> to vector<1x16xi32>
      tpu.vector_store %arg6[%swap3A_617, %swap3A_618], %swap3A_621 {strides = array<i32>} : memref<26x128xi32, #tpu.memory_space<vmem>>, vector<1x16xi32>,
      %scan3A_622 = arith.constant 0 : i32
      scf.yield %scan3A_622 : i32
    }
    %scan3A_142 = arith.constant 8 : i32
    %dma_start3A_143 = arith.constant 9 : i32
    %dma_start3A_144 = arith.constant 1152 : i32
    %dma_start3A_145 = tpu.memref_slice %arg7[%dma_start3A_144] : memref<3328xf32, #tpu.memory_space<vmem>> -> memref<128xf32, #tpu.memory_space<vmem>>
    %dma_start3A_146 = arith.constant 0 : i32
    %dma_start3A_147 = tpu.memref_slice %arg6[%dma_start3A_143, %dma_start3A_146] : memref<26x128xi32, #tpu.memory_space<vmem>> -> memref<1x128xi32, #tpu.memory_space<vmem>>
    %dma_start3A_148 = tpu.memref_squeeze %dma_start3A_147 : memref<1x128xi32, #tpu.memory_space<vmem>> -> memref<128xi32, #tpu.memory_space<vmem>>
    %dma_start3A_149 = arith.constant 0 : i32
    %dma_start3A_150 = tpu.memref_slice %arg2[%dma_start3A_149] : memref<2600000xf32, #tpu.memory_space<hbm>> -> memref<2600000xf32, #tpu.memory_space<hbm>>
    tpu.enqueue_indirect_dma source(%dma_start3A_150 : memref<2600000xf32, #tpu.memory_space<hbm>>) target(%dma_start3A_145 : memref<128xf32, #tpu.memory_space<vmem>>) offsets(%dma_start3A_148 : memref<128xi32, #tpu.memory_space<vmem>>) semaphore(%arg8 : memref<!tpu.dma_semaphore, #tpu.memory_space<semaphore_mem>>)
    %scan3A_151 = arith.constant 0 : i32
    %scan3A_152 = arith.constant 0 : i32
    %scan3A_153 = arith.constant 8 : i32
    %scan3A_154 = arith.addi %scan3A_152, %scan3A_153 : i32
    %scan3A_155 = arith.constant 1 : i32
    %scan3A_156 = scf.for %scan3A_598 = %scan3A_152 to %scan3A_154 step %scan3A_155 iter_args(%scan3A_599 = %scan3A_151) -> (i32)  : i32 {
      %mul3A_600 = arith.constant 16 : i32
      %mul3A_601 = arith.muli %scan3A_598, %mul3A_600 : i32
      %add3A_602 = arith.constant 1280 : i32
      %add3A_603 = arith.addi %add3A_602, %mul3A_601 : i32
      %get3A = arith.index_cast %add3A_603 : i32 to index
      %get3A_604 = tpu.vector_load %arg5[%get3A] {strides = array<i32>} : memref<3328xf32, #tpu.memory_space<vmem>>, vector<16xf32>,
      %get3A_605 = vector.shape_cast %get3A_604 : vector<16xf32> to vector<16xf32>
      %convert_element_type3A = arith.fptosi %get3A_605 : vector<16xf32> to vector<16xi32>
      %add3A_606 = arith.addi %mul3A_2, %add3A_603 : i32
      %add3A_607 = vector.broadcast %add3A_606 : i32 to vector<16xi32>
      %add3A_608 = arith.addi %add3A_607, %iota3A : vector<16xi32>
      %rem3A = arith.constant 26 : i32
      %rem3A_609 = vector.broadcast %rem3A : i32 to vector<16xi32>
      %rem3A_610 = arith.remsi %add3A_608, %rem3A_609 : vector<16xi32>
      %mul3A_611 = arith.constant 100000 : i32
      %mul3A_612 = vector.broadcast %mul3A_611 : i32 to vector<16xi32>
      %mul3A_613 = arith.muli %rem3A_610, %mul3A_612 : vector<16xi32>
      %add3A_614 = arith.addi %mul3A_613, %convert_element_type3A : vector<16xi32>
      %mul3A_615 = arith.constant 16 : i32
      %mul3A_616 = arith.muli %scan3A_598, %mul3A_615 : i32
      %swap3A = arith.constant 10 : i32
      %swap3A_617 = arith.index_cast %swap3A : i32 to index
      %swap3A_618 = arith.index_cast %mul3A_616 : i32 to index
      %swap3A_619 = tpu.vector_load %arg6[%swap3A_617, %swap3A_618] {strides = array<i32>} : memref<26x128xi32, #tpu.memory_space<vmem>>, vector<1x16xi32>,
      %swap3A_620 = vector.shape_cast %swap3A_619 : vector<1x16xi32> to vector<16xi32>
      %swap3A_621 = vector.shape_cast %add3A_614 : vector<16xi32> to vector<1x16xi32>
      tpu.vector_store %arg6[%swap3A_617, %swap3A_618], %swap3A_621 {strides = array<i32>} : memref<26x128xi32, #tpu.memory_space<vmem>>, vector<1x16xi32>,
      %scan3A_622 = arith.constant 0 : i32
      scf.yield %scan3A_622 : i32
    }
    %scan3A_157 = arith.constant 8 : i32
    %dma_start3A_158 = arith.constant 10 : i32
    %dma_start3A_159 = arith.constant 1280 : i32
    %dma_start3A_160 = tpu.memref_slice %arg7[%dma_start3A_159] : memref<3328xf32, #tpu.memory_space<vmem>> -> memref<128xf32, #tpu.memory_space<vmem>>
    %dma_start3A_161 = arith.constant 0 : i32
    %dma_start3A_162 = tpu.memref_slice %arg6[%dma_start3A_158, %dma_start3A_161] : memref<26x128xi32, #tpu.memory_space<vmem>> -> memref<1x128xi32, #tpu.memory_space<vmem>>
    %dma_start3A_163 = tpu.memref_squeeze %dma_start3A_162 : memref<1x128xi32, #tpu.memory_space<vmem>> -> memref<128xi32, #tpu.memory_space<vmem>>
    %dma_start3A_164 = arith.constant 0 : i32
    %dma_start3A_165 = tpu.memref_slice %arg2[%dma_start3A_164] : memref<2600000xf32, #tpu.memory_space<hbm>> -> memref<2600000xf32, #tpu.memory_space<hbm>>
    tpu.enqueue_indirect_dma source(%dma_start3A_165 : memref<2600000xf32, #tpu.memory_space<hbm>>) target(%dma_start3A_160 : memref<128xf32, #tpu.memory_space<vmem>>) offsets(%dma_start3A_163 : memref<128xi32, #tpu.memory_space<vmem>>) semaphore(%arg8 : memref<!tpu.dma_semaphore, #tpu.memory_space<semaphore_mem>>)
    %scan3A_166 = arith.constant 0 : i32
    %scan3A_167 = arith.constant 0 : i32
    %scan3A_168 = arith.constant 8 : i32
    %scan3A_169 = arith.addi %scan3A_167, %scan3A_168 : i32
    %scan3A_170 = arith.constant 1 : i32
    %scan3A_171 = scf.for %scan3A_598 = %scan3A_167 to %scan3A_169 step %scan3A_170 iter_args(%scan3A_599 = %scan3A_166) -> (i32)  : i32 {
      %mul3A_600 = arith.constant 16 : i32
      %mul3A_601 = arith.muli %scan3A_598, %mul3A_600 : i32
      %add3A_602 = arith.constant 1408 : i32
      %add3A_603 = arith.addi %add3A_602, %mul3A_601 : i32
      %get3A = arith.index_cast %add3A_603 : i32 to index
      %get3A_604 = tpu.vector_load %arg5[%get3A] {strides = array<i32>} : memref<3328xf32, #tpu.memory_space<vmem>>, vector<16xf32>,
      %get3A_605 = vector.shape_cast %get3A_604 : vector<16xf32> to vector<16xf32>
      %convert_element_type3A = arith.fptosi %get3A_605 : vector<16xf32> to vector<16xi32>
      %add3A_606 = arith.addi %mul3A_2, %add3A_603 : i32
      %add3A_607 = vector.broadcast %add3A_606 : i32 to vector<16xi32>
      %add3A_608 = arith.addi %add3A_607, %iota3A : vector<16xi32>
      %rem3A = arith.constant 26 : i32
      %rem3A_609 = vector.broadcast %rem3A : i32 to vector<16xi32>
      %rem3A_610 = arith.remsi %add3A_608, %rem3A_609 : vector<16xi32>
      %mul3A_611 = arith.constant 100000 : i32
      %mul3A_612 = vector.broadcast %mul3A_611 : i32 to vector<16xi32>
      %mul3A_613 = arith.muli %rem3A_610, %mul3A_612 : vector<16xi32>
      %add3A_614 = arith.addi %mul3A_613, %convert_element_type3A : vector<16xi32>
      %mul3A_615 = arith.constant 16 : i32
      %mul3A_616 = arith.muli %scan3A_598, %mul3A_615 : i32
      %swap3A = arith.constant 11 : i32
      %swap3A_617 = arith.index_cast %swap3A : i32 to index
      %swap3A_618 = arith.index_cast %mul3A_616 : i32 to index
      %swap3A_619 = tpu.vector_load %arg6[%swap3A_617, %swap3A_618] {strides = array<i32>} : memref<26x128xi32, #tpu.memory_space<vmem>>, vector<1x16xi32>,
      %swap3A_620 = vector.shape_cast %swap3A_619 : vector<1x16xi32> to vector<16xi32>
      %swap3A_621 = vector.shape_cast %add3A_614 : vector<16xi32> to vector<1x16xi32>
      tpu.vector_store %arg6[%swap3A_617, %swap3A_618], %swap3A_621 {strides = array<i32>} : memref<26x128xi32, #tpu.memory_space<vmem>>, vector<1x16xi32>,
      %scan3A_622 = arith.constant 0 : i32
      scf.yield %scan3A_622 : i32
    }
    %scan3A_172 = arith.constant 8 : i32
    %dma_start3A_173 = arith.constant 11 : i32
    %dma_start3A_174 = arith.constant 1408 : i32
    %dma_start3A_175 = tpu.memref_slice %arg7[%dma_start3A_174] : memref<3328xf32, #tpu.memory_space<vmem>> -> memref<128xf32, #tpu.memory_space<vmem>>
    %dma_start3A_176 = arith.constant 0 : i32
    %dma_start3A_177 = tpu.memref_slice %arg6[%dma_start3A_173, %dma_start3A_176] : memref<26x128xi32, #tpu.memory_space<vmem>> -> memref<1x128xi32, #tpu.memory_space<vmem>>
    %dma_start3A_178 = tpu.memref_squeeze %dma_start3A_177 : memref<1x128xi32, #tpu.memory_space<vmem>> -> memref<128xi32, #tpu.memory_space<vmem>>
    %dma_start3A_179 = arith.constant 0 : i32
    %dma_start3A_180 = tpu.memref_slice %arg2[%dma_start3A_179] : memref<2600000xf32, #tpu.memory_space<hbm>> -> memref<2600000xf32, #tpu.memory_space<hbm>>
    tpu.enqueue_indirect_dma source(%dma_start3A_180 : memref<2600000xf32, #tpu.memory_space<hbm>>) target(%dma_start3A_175 : memref<128xf32, #tpu.memory_space<vmem>>) offsets(%dma_start3A_178 : memref<128xi32, #tpu.memory_space<vmem>>) semaphore(%arg8 : memref<!tpu.dma_semaphore, #tpu.memory_space<semaphore_mem>>)
    %scan3A_181 = arith.constant 0 : i32
    %scan3A_182 = arith.constant 0 : i32
    %scan3A_183 = arith.constant 8 : i32
    %scan3A_184 = arith.addi %scan3A_182, %scan3A_183 : i32
    %scan3A_185 = arith.constant 1 : i32
    %scan3A_186 = scf.for %scan3A_598 = %scan3A_182 to %scan3A_184 step %scan3A_185 iter_args(%scan3A_599 = %scan3A_181) -> (i32)  : i32 {
      %mul3A_600 = arith.constant 16 : i32
      %mul3A_601 = arith.muli %scan3A_598, %mul3A_600 : i32
      %add3A_602 = arith.constant 1536 : i32
      %add3A_603 = arith.addi %add3A_602, %mul3A_601 : i32
      %get3A = arith.index_cast %add3A_603 : i32 to index
      %get3A_604 = tpu.vector_load %arg5[%get3A] {strides = array<i32>} : memref<3328xf32, #tpu.memory_space<vmem>>, vector<16xf32>,
      %get3A_605 = vector.shape_cast %get3A_604 : vector<16xf32> to vector<16xf32>
      %convert_element_type3A = arith.fptosi %get3A_605 : vector<16xf32> to vector<16xi32>
      %add3A_606 = arith.addi %mul3A_2, %add3A_603 : i32
      %add3A_607 = vector.broadcast %add3A_606 : i32 to vector<16xi32>
      %add3A_608 = arith.addi %add3A_607, %iota3A : vector<16xi32>
      %rem3A = arith.constant 26 : i32
      %rem3A_609 = vector.broadcast %rem3A : i32 to vector<16xi32>
      %rem3A_610 = arith.remsi %add3A_608, %rem3A_609 : vector<16xi32>
      %mul3A_611 = arith.constant 100000 : i32
      %mul3A_612 = vector.broadcast %mul3A_611 : i32 to vector<16xi32>
      %mul3A_613 = arith.muli %rem3A_610, %mul3A_612 : vector<16xi32>
      %add3A_614 = arith.addi %mul3A_613, %convert_element_type3A : vector<16xi32>
      %mul3A_615 = arith.constant 16 : i32
      %mul3A_616 = arith.muli %scan3A_598, %mul3A_615 : i32
      %swap3A = arith.constant 12 : i32
      %swap3A_617 = arith.index_cast %swap3A : i32 to index
      %swap3A_618 = arith.index_cast %mul3A_616 : i32 to index
      %swap3A_619 = tpu.vector_load %arg6[%swap3A_617, %swap3A_618] {strides = array<i32>} : memref<26x128xi32, #tpu.memory_space<vmem>>, vector<1x16xi32>,
      %swap3A_620 = vector.shape_cast %swap3A_619 : vector<1x16xi32> to vector<16xi32>
      %swap3A_621 = vector.shape_cast %add3A_614 : vector<16xi32> to vector<1x16xi32>
      tpu.vector_store %arg6[%swap3A_617, %swap3A_618], %swap3A_621 {strides = array<i32>} : memref<26x128xi32, #tpu.memory_space<vmem>>, vector<1x16xi32>,
      %scan3A_622 = arith.constant 0 : i32
      scf.yield %scan3A_622 : i32
    }
    %scan3A_187 = arith.constant 8 : i32
    %dma_start3A_188 = arith.constant 12 : i32
    %dma_start3A_189 = arith.constant 1536 : i32
    %dma_start3A_190 = tpu.memref_slice %arg7[%dma_start3A_189] : memref<3328xf32, #tpu.memory_space<vmem>> -> memref<128xf32, #tpu.memory_space<vmem>>
    %dma_start3A_191 = arith.constant 0 : i32
    %dma_start3A_192 = tpu.memref_slice %arg6[%dma_start3A_188, %dma_start3A_191] : memref<26x128xi32, #tpu.memory_space<vmem>> -> memref<1x128xi32, #tpu.memory_space<vmem>>
    %dma_start3A_193 = tpu.memref_squeeze %dma_start3A_192 : memref<1x128xi32, #tpu.memory_space<vmem>> -> memref<128xi32, #tpu.memory_space<vmem>>
    %dma_start3A_194 = arith.constant 0 : i32
    %dma_start3A_195 = tpu.memref_slice %arg2[%dma_start3A_194] : memref<2600000xf32, #tpu.memory_space<hbm>> -> memref<2600000xf32, #tpu.memory_space<hbm>>
    tpu.enqueue_indirect_dma source(%dma_start3A_195 : memref<2600000xf32, #tpu.memory_space<hbm>>) target(%dma_start3A_190 : memref<128xf32, #tpu.memory_space<vmem>>) offsets(%dma_start3A_193 : memref<128xi32, #tpu.memory_space<vmem>>) semaphore(%arg8 : memref<!tpu.dma_semaphore, #tpu.memory_space<semaphore_mem>>)
    %scan3A_196 = arith.constant 0 : i32
    %scan3A_197 = arith.constant 0 : i32
    %scan3A_198 = arith.constant 8 : i32
    %scan3A_199 = arith.addi %scan3A_197, %scan3A_198 : i32
    %scan3A_200 = arith.constant 1 : i32
    %scan3A_201 = scf.for %scan3A_598 = %scan3A_197 to %scan3A_199 step %scan3A_200 iter_args(%scan3A_599 = %scan3A_196) -> (i32)  : i32 {
      %mul3A_600 = arith.constant 16 : i32
      %mul3A_601 = arith.muli %scan3A_598, %mul3A_600 : i32
      %add3A_602 = arith.constant 1664 : i32
      %add3A_603 = arith.addi %add3A_602, %mul3A_601 : i32
      %get3A = arith.index_cast %add3A_603 : i32 to index
      %get3A_604 = tpu.vector_load %arg5[%get3A] {strides = array<i32>} : memref<3328xf32, #tpu.memory_space<vmem>>, vector<16xf32>,
      %get3A_605 = vector.shape_cast %get3A_604 : vector<16xf32> to vector<16xf32>
      %convert_element_type3A = arith.fptosi %get3A_605 : vector<16xf32> to vector<16xi32>
      %add3A_606 = arith.addi %mul3A_2, %add3A_603 : i32
      %add3A_607 = vector.broadcast %add3A_606 : i32 to vector<16xi32>
      %add3A_608 = arith.addi %add3A_607, %iota3A : vector<16xi32>
      %rem3A = arith.constant 26 : i32
      %rem3A_609 = vector.broadcast %rem3A : i32 to vector<16xi32>
      %rem3A_610 = arith.remsi %add3A_608, %rem3A_609 : vector<16xi32>
      %mul3A_611 = arith.constant 100000 : i32
      %mul3A_612 = vector.broadcast %mul3A_611 : i32 to vector<16xi32>
      %mul3A_613 = arith.muli %rem3A_610, %mul3A_612 : vector<16xi32>
      %add3A_614 = arith.addi %mul3A_613, %convert_element_type3A : vector<16xi32>
      %mul3A_615 = arith.constant 16 : i32
      %mul3A_616 = arith.muli %scan3A_598, %mul3A_615 : i32
      %swap3A = arith.constant 13 : i32
      %swap3A_617 = arith.index_cast %swap3A : i32 to index
      %swap3A_618 = arith.index_cast %mul3A_616 : i32 to index
      %swap3A_619 = tpu.vector_load %arg6[%swap3A_617, %swap3A_618] {strides = array<i32>} : memref<26x128xi32, #tpu.memory_space<vmem>>, vector<1x16xi32>,
      %swap3A_620 = vector.shape_cast %swap3A_619 : vector<1x16xi32> to vector<16xi32>
      %swap3A_621 = vector.shape_cast %add3A_614 : vector<16xi32> to vector<1x16xi32>
      tpu.vector_store %arg6[%swap3A_617, %swap3A_618], %swap3A_621 {strides = array<i32>} : memref<26x128xi32, #tpu.memory_space<vmem>>, vector<1x16xi32>,
      %scan3A_622 = arith.constant 0 : i32
      scf.yield %scan3A_622 : i32
    }
    %scan3A_202 = arith.constant 8 : i32
    %dma_start3A_203 = arith.constant 13 : i32
    %dma_start3A_204 = arith.constant 1664 : i32
    %dma_start3A_205 = tpu.memref_slice %arg7[%dma_start3A_204] : memref<3328xf32, #tpu.memory_space<vmem>> -> memref<128xf32, #tpu.memory_space<vmem>>
    %dma_start3A_206 = arith.constant 0 : i32
    %dma_start3A_207 = tpu.memref_slice %arg6[%dma_start3A_203, %dma_start3A_206] : memref<26x128xi32, #tpu.memory_space<vmem>> -> memref<1x128xi32, #tpu.memory_space<vmem>>
    %dma_start3A_208 = tpu.memref_squeeze %dma_start3A_207 : memref<1x128xi32, #tpu.memory_space<vmem>> -> memref<128xi32, #tpu.memory_space<vmem>>
    %dma_start3A_209 = arith.constant 0 : i32
    %dma_start3A_210 = tpu.memref_slice %arg2[%dma_start3A_209] : memref<2600000xf32, #tpu.memory_space<hbm>> -> memref<2600000xf32, #tpu.memory_space<hbm>>
    tpu.enqueue_indirect_dma source(%dma_start3A_210 : memref<2600000xf32, #tpu.memory_space<hbm>>) target(%dma_start3A_205 : memref<128xf32, #tpu.memory_space<vmem>>) offsets(%dma_start3A_208 : memref<128xi32, #tpu.memory_space<vmem>>) semaphore(%arg8 : memref<!tpu.dma_semaphore, #tpu.memory_space<semaphore_mem>>)
    %scan3A_211 = arith.constant 0 : i32
    %scan3A_212 = arith.constant 0 : i32
    %scan3A_213 = arith.constant 8 : i32
    %scan3A_214 = arith.addi %scan3A_212, %scan3A_213 : i32
    %scan3A_215 = arith.constant 1 : i32
    %scan3A_216 = scf.for %scan3A_598 = %scan3A_212 to %scan3A_214 step %scan3A_215 iter_args(%scan3A_599 = %scan3A_211) -> (i32)  : i32 {
      %mul3A_600 = arith.constant 16 : i32
      %mul3A_601 = arith.muli %scan3A_598, %mul3A_600 : i32
      %add3A_602 = arith.constant 1792 : i32
      %add3A_603 = arith.addi %add3A_602, %mul3A_601 : i32
      %get3A = arith.index_cast %add3A_603 : i32 to index
      %get3A_604 = tpu.vector_load %arg5[%get3A] {strides = array<i32>} : memref<3328xf32, #tpu.memory_space<vmem>>, vector<16xf32>,
      %get3A_605 = vector.shape_cast %get3A_604 : vector<16xf32> to vector<16xf32>
      %convert_element_type3A = arith.fptosi %get3A_605 : vector<16xf32> to vector<16xi32>
      %add3A_606 = arith.addi %mul3A_2, %add3A_603 : i32
      %add3A_607 = vector.broadcast %add3A_606 : i32 to vector<16xi32>
      %add3A_608 = arith.addi %add3A_607, %iota3A : vector<16xi32>
      %rem3A = arith.constant 26 : i32
      %rem3A_609 = vector.broadcast %rem3A : i32 to vector<16xi32>
      %rem3A_610 = arith.remsi %add3A_608, %rem3A_609 : vector<16xi32>
      %mul3A_611 = arith.constant 100000 : i32
      %mul3A_612 = vector.broadcast %mul3A_611 : i32 to vector<16xi32>
      %mul3A_613 = arith.muli %rem3A_610, %mul3A_612 : vector<16xi32>
      %add3A_614 = arith.addi %mul3A_613, %convert_element_type3A : vector<16xi32>
      %mul3A_615 = arith.constant 16 : i32
      %mul3A_616 = arith.muli %scan3A_598, %mul3A_615 : i32
      %swap3A = arith.constant 14 : i32
      %swap3A_617 = arith.index_cast %swap3A : i32 to index
      %swap3A_618 = arith.index_cast %mul3A_616 : i32 to index
      %swap3A_619 = tpu.vector_load %arg6[%swap3A_617, %swap3A_618] {strides = array<i32>} : memref<26x128xi32, #tpu.memory_space<vmem>>, vector<1x16xi32>,
      %swap3A_620 = vector.shape_cast %swap3A_619 : vector<1x16xi32> to vector<16xi32>
      %swap3A_621 = vector.shape_cast %add3A_614 : vector<16xi32> to vector<1x16xi32>
      tpu.vector_store %arg6[%swap3A_617, %swap3A_618], %swap3A_621 {strides = array<i32>} : memref<26x128xi32, #tpu.memory_space<vmem>>, vector<1x16xi32>,
      %scan3A_622 = arith.constant 0 : i32
      scf.yield %scan3A_622 : i32
    }
    %scan3A_217 = arith.constant 8 : i32
    %dma_start3A_218 = arith.constant 14 : i32
    %dma_start3A_219 = arith.constant 1792 : i32
    %dma_start3A_220 = tpu.memref_slice %arg7[%dma_start3A_219] : memref<3328xf32, #tpu.memory_space<vmem>> -> memref<128xf32, #tpu.memory_space<vmem>>
    %dma_start3A_221 = arith.constant 0 : i32
    %dma_start3A_222 = tpu.memref_slice %arg6[%dma_start3A_218, %dma_start3A_221] : memref<26x128xi32, #tpu.memory_space<vmem>> -> memref<1x128xi32, #tpu.memory_space<vmem>>
    %dma_start3A_223 = tpu.memref_squeeze %dma_start3A_222 : memref<1x128xi32, #tpu.memory_space<vmem>> -> memref<128xi32, #tpu.memory_space<vmem>>
    %dma_start3A_224 = arith.constant 0 : i32
    %dma_start3A_225 = tpu.memref_slice %arg2[%dma_start3A_224] : memref<2600000xf32, #tpu.memory_space<hbm>> -> memref<2600000xf32, #tpu.memory_space<hbm>>
    tpu.enqueue_indirect_dma source(%dma_start3A_225 : memref<2600000xf32, #tpu.memory_space<hbm>>) target(%dma_start3A_220 : memref<128xf32, #tpu.memory_space<vmem>>) offsets(%dma_start3A_223 : memref<128xi32, #tpu.memory_space<vmem>>) semaphore(%arg8 : memref<!tpu.dma_semaphore, #tpu.memory_space<semaphore_mem>>)
    %scan3A_226 = arith.constant 0 : i32
    %scan3A_227 = arith.constant 0 : i32
    %scan3A_228 = arith.constant 8 : i32
    %scan3A_229 = arith.addi %scan3A_227, %scan3A_228 : i32
    %scan3A_230 = arith.constant 1 : i32
    %scan3A_231 = scf.for %scan3A_598 = %scan3A_227 to %scan3A_229 step %scan3A_230 iter_args(%scan3A_599 = %scan3A_226) -> (i32)  : i32 {
      %mul3A_600 = arith.constant 16 : i32
      %mul3A_601 = arith.muli %scan3A_598, %mul3A_600 : i32
      %add3A_602 = arith.constant 1920 : i32
      %add3A_603 = arith.addi %add3A_602, %mul3A_601 : i32
      %get3A = arith.index_cast %add3A_603 : i32 to index
      %get3A_604 = tpu.vector_load %arg5[%get3A] {strides = array<i32>} : memref<3328xf32, #tpu.memory_space<vmem>>, vector<16xf32>,
      %get3A_605 = vector.shape_cast %get3A_604 : vector<16xf32> to vector<16xf32>
      %convert_element_type3A = arith.fptosi %get3A_605 : vector<16xf32> to vector<16xi32>
      %add3A_606 = arith.addi %mul3A_2, %add3A_603 : i32
      %add3A_607 = vector.broadcast %add3A_606 : i32 to vector<16xi32>
      %add3A_608 = arith.addi %add3A_607, %iota3A : vector<16xi32>
      %rem3A = arith.constant 26 : i32
      %rem3A_609 = vector.broadcast %rem3A : i32 to vector<16xi32>
      %rem3A_610 = arith.remsi %add3A_608, %rem3A_609 : vector<16xi32>
      %mul3A_611 = arith.constant 100000 : i32
      %mul3A_612 = vector.broadcast %mul3A_611 : i32 to vector<16xi32>
      %mul3A_613 = arith.muli %rem3A_610, %mul3A_612 : vector<16xi32>
      %add3A_614 = arith.addi %mul3A_613, %convert_element_type3A : vector<16xi32>
      %mul3A_615 = arith.constant 16 : i32
      %mul3A_616 = arith.muli %scan3A_598, %mul3A_615 : i32
      %swap3A = arith.constant 15 : i32
      %swap3A_617 = arith.index_cast %swap3A : i32 to index
      %swap3A_618 = arith.index_cast %mul3A_616 : i32 to index
      %swap3A_619 = tpu.vector_load %arg6[%swap3A_617, %swap3A_618] {strides = array<i32>} : memref<26x128xi32, #tpu.memory_space<vmem>>, vector<1x16xi32>,
      %swap3A_620 = vector.shape_cast %swap3A_619 : vector<1x16xi32> to vector<16xi32>
      %swap3A_621 = vector.shape_cast %add3A_614 : vector<16xi32> to vector<1x16xi32>
      tpu.vector_store %arg6[%swap3A_617, %swap3A_618], %swap3A_621 {strides = array<i32>} : memref<26x128xi32, #tpu.memory_space<vmem>>, vector<1x16xi32>,
      %scan3A_622 = arith.constant 0 : i32
      scf.yield %scan3A_622 : i32
    }
    %scan3A_232 = arith.constant 8 : i32
    %dma_start3A_233 = arith.constant 15 : i32
    %dma_start3A_234 = arith.constant 1920 : i32
    %dma_start3A_235 = tpu.memref_slice %arg7[%dma_start3A_234] : memref<3328xf32, #tpu.memory_space<vmem>> -> memref<128xf32, #tpu.memory_space<vmem>>
    %dma_start3A_236 = arith.constant 0 : i32
    %dma_start3A_237 = tpu.memref_slice %arg6[%dma_start3A_233, %dma_start3A_236] : memref<26x128xi32, #tpu.memory_space<vmem>> -> memref<1x128xi32, #tpu.memory_space<vmem>>
    %dma_start3A_238 = tpu.memref_squeeze %dma_start3A_237 : memref<1x128xi32, #tpu.memory_space<vmem>> -> memref<128xi32, #tpu.memory_space<vmem>>
    %dma_start3A_239 = arith.constant 0 : i32
    %dma_start3A_240 = tpu.memref_slice %arg2[%dma_start3A_239] : memref<2600000xf32, #tpu.memory_space<hbm>> -> memref<2600000xf32, #tpu.memory_space<hbm>>
    tpu.enqueue_indirect_dma source(%dma_start3A_240 : memref<2600000xf32, #tpu.memory_space<hbm>>) target(%dma_start3A_235 : memref<128xf32, #tpu.memory_space<vmem>>) offsets(%dma_start3A_238 : memref<128xi32, #tpu.memory_space<vmem>>) semaphore(%arg8 : memref<!tpu.dma_semaphore, #tpu.memory_space<semaphore_mem>>)
    %scan3A_241 = arith.constant 0 : i32
    %scan3A_242 = arith.constant 0 : i32
    %scan3A_243 = arith.constant 8 : i32
    %scan3A_244 = arith.addi %scan3A_242, %scan3A_243 : i32
    %scan3A_245 = arith.constant 1 : i32
    %scan3A_246 = scf.for %scan3A_598 = %scan3A_242 to %scan3A_244 step %scan3A_245 iter_args(%scan3A_599 = %scan3A_241) -> (i32)  : i32 {
      %mul3A_600 = arith.constant 16 : i32
      %mul3A_601 = arith.muli %scan3A_598, %mul3A_600 : i32
      %add3A_602 = arith.constant 2048 : i32
      %add3A_603 = arith.addi %add3A_602, %mul3A_601 : i32
      %get3A = arith.index_cast %add3A_603 : i32 to index
      %get3A_604 = tpu.vector_load %arg5[%get3A] {strides = array<i32>} : memref<3328xf32, #tpu.memory_space<vmem>>, vector<16xf32>,
      %get3A_605 = vector.shape_cast %get3A_604 : vector<16xf32> to vector<16xf32>
      %convert_element_type3A = arith.fptosi %get3A_605 : vector<16xf32> to vector<16xi32>
      %add3A_606 = arith.addi %mul3A_2, %add3A_603 : i32
      %add3A_607 = vector.broadcast %add3A_606 : i32 to vector<16xi32>
      %add3A_608 = arith.addi %add3A_607, %iota3A : vector<16xi32>
      %rem3A = arith.constant 26 : i32
      %rem3A_609 = vector.broadcast %rem3A : i32 to vector<16xi32>
      %rem3A_610 = arith.remsi %add3A_608, %rem3A_609 : vector<16xi32>
      %mul3A_611 = arith.constant 100000 : i32
      %mul3A_612 = vector.broadcast %mul3A_611 : i32 to vector<16xi32>
      %mul3A_613 = arith.muli %rem3A_610, %mul3A_612 : vector<16xi32>
      %add3A_614 = arith.addi %mul3A_613, %convert_element_type3A : vector<16xi32>
      %mul3A_615 = arith.constant 16 : i32
      %mul3A_616 = arith.muli %scan3A_598, %mul3A_615 : i32
      %swap3A = arith.constant 16 : i32
      %swap3A_617 = arith.index_cast %swap3A : i32 to index
      %swap3A_618 = arith.index_cast %mul3A_616 : i32 to index
      %swap3A_619 = tpu.vector_load %arg6[%swap3A_617, %swap3A_618] {strides = array<i32>} : memref<26x128xi32, #tpu.memory_space<vmem>>, vector<1x16xi32>,
      %swap3A_620 = vector.shape_cast %swap3A_619 : vector<1x16xi32> to vector<16xi32>
      %swap3A_621 = vector.shape_cast %add3A_614 : vector<16xi32> to vector<1x16xi32>
      tpu.vector_store %arg6[%swap3A_617, %swap3A_618], %swap3A_621 {strides = array<i32>} : memref<26x128xi32, #tpu.memory_space<vmem>>, vector<1x16xi32>,
      %scan3A_622 = arith.constant 0 : i32
      scf.yield %scan3A_622 : i32
    }
    %scan3A_247 = arith.constant 8 : i32
    %dma_start3A_248 = arith.constant 16 : i32
    %dma_start3A_249 = arith.constant 2048 : i32
    %dma_start3A_250 = tpu.memref_slice %arg7[%dma_start3A_249] : memref<3328xf32, #tpu.memory_space<vmem>> -> memref<128xf32, #tpu.memory_space<vmem>>
    %dma_start3A_251 = arith.constant 0 : i32
    %dma_start3A_252 = tpu.memref_slice %arg6[%dma_start3A_248, %dma_start3A_251] : memref<26x128xi32, #tpu.memory_space<vmem>> -> memref<1x128xi32, #tpu.memory_space<vmem>>
    %dma_start3A_253 = tpu.memref_squeeze %dma_start3A_252 : memref<1x128xi32, #tpu.memory_space<vmem>> -> memref<128xi32, #tpu.memory_space<vmem>>
    %dma_start3A_254 = arith.constant 0 : i32
    %dma_start3A_255 = tpu.memref_slice %arg2[%dma_start3A_254] : memref<2600000xf32, #tpu.memory_space<hbm>> -> memref<2600000xf32, #tpu.memory_space<hbm>>
    tpu.enqueue_indirect_dma source(%dma_start3A_255 : memref<2600000xf32, #tpu.memory_space<hbm>>) target(%dma_start3A_250 : memref<128xf32, #tpu.memory_space<vmem>>) offsets(%dma_start3A_253 : memref<128xi32, #tpu.memory_space<vmem>>) semaphore(%arg8 : memref<!tpu.dma_semaphore, #tpu.memory_space<semaphore_mem>>)
    %scan3A_256 = arith.constant 0 : i32
    %scan3A_257 = arith.constant 0 : i32
    %scan3A_258 = arith.constant 8 : i32
    %scan3A_259 = arith.addi %scan3A_257, %scan3A_258 : i32
    %scan3A_260 = arith.constant 1 : i32
    %scan3A_261 = scf.for %scan3A_598 = %scan3A_257 to %scan3A_259 step %scan3A_260 iter_args(%scan3A_599 = %scan3A_256) -> (i32)  : i32 {
      %mul3A_600 = arith.constant 16 : i32
      %mul3A_601 = arith.muli %scan3A_598, %mul3A_600 : i32
      %add3A_602 = arith.constant 2176 : i32
      %add3A_603 = arith.addi %add3A_602, %mul3A_601 : i32
      %get3A = arith.index_cast %add3A_603 : i32 to index
      %get3A_604 = tpu.vector_load %arg5[%get3A] {strides = array<i32>} : memref<3328xf32, #tpu.memory_space<vmem>>, vector<16xf32>,
      %get3A_605 = vector.shape_cast %get3A_604 : vector<16xf32> to vector<16xf32>
      %convert_element_type3A = arith.fptosi %get3A_605 : vector<16xf32> to vector<16xi32>
      %add3A_606 = arith.addi %mul3A_2, %add3A_603 : i32
      %add3A_607 = vector.broadcast %add3A_606 : i32 to vector<16xi32>
      %add3A_608 = arith.addi %add3A_607, %iota3A : vector<16xi32>
      %rem3A = arith.constant 26 : i32
      %rem3A_609 = vector.broadcast %rem3A : i32 to vector<16xi32>
      %rem3A_610 = arith.remsi %add3A_608, %rem3A_609 : vector<16xi32>
      %mul3A_611 = arith.constant 100000 : i32
      %mul3A_612 = vector.broadcast %mul3A_611 : i32 to vector<16xi32>
      %mul3A_613 = arith.muli %rem3A_610, %mul3A_612 : vector<16xi32>
      %add3A_614 = arith.addi %mul3A_613, %convert_element_type3A : vector<16xi32>
      %mul3A_615 = arith.constant 16 : i32
      %mul3A_616 = arith.muli %scan3A_598, %mul3A_615 : i32
      %swap3A = arith.constant 17 : i32
      %swap3A_617 = arith.index_cast %swap3A : i32 to index
      %swap3A_618 = arith.index_cast %mul3A_616 : i32 to index
      %swap3A_619 = tpu.vector_load %arg6[%swap3A_617, %swap3A_618] {strides = array<i32>} : memref<26x128xi32, #tpu.memory_space<vmem>>, vector<1x16xi32>,
      %swap3A_620 = vector.shape_cast %swap3A_619 : vector<1x16xi32> to vector<16xi32>
      %swap3A_621 = vector.shape_cast %add3A_614 : vector<16xi32> to vector<1x16xi32>
      tpu.vector_store %arg6[%swap3A_617, %swap3A_618], %swap3A_621 {strides = array<i32>} : memref<26x128xi32, #tpu.memory_space<vmem>>, vector<1x16xi32>,
      %scan3A_622 = arith.constant 0 : i32
      scf.yield %scan3A_622 : i32
    }
    %scan3A_262 = arith.constant 8 : i32
    %dma_start3A_263 = arith.constant 17 : i32
    %dma_start3A_264 = arith.constant 2176 : i32
    %dma_start3A_265 = tpu.memref_slice %arg7[%dma_start3A_264] : memref<3328xf32, #tpu.memory_space<vmem>> -> memref<128xf32, #tpu.memory_space<vmem>>
    %dma_start3A_266 = arith.constant 0 : i32
    %dma_start3A_267 = tpu.memref_slice %arg6[%dma_start3A_263, %dma_start3A_266] : memref<26x128xi32, #tpu.memory_space<vmem>> -> memref<1x128xi32, #tpu.memory_space<vmem>>
    %dma_start3A_268 = tpu.memref_squeeze %dma_start3A_267 : memref<1x128xi32, #tpu.memory_space<vmem>> -> memref<128xi32, #tpu.memory_space<vmem>>
    %dma_start3A_269 = arith.constant 0 : i32
    %dma_start3A_270 = tpu.memref_slice %arg2[%dma_start3A_269] : memref<2600000xf32, #tpu.memory_space<hbm>> -> memref<2600000xf32, #tpu.memory_space<hbm>>
    tpu.enqueue_indirect_dma source(%dma_start3A_270 : memref<2600000xf32, #tpu.memory_space<hbm>>) target(%dma_start3A_265 : memref<128xf32, #tpu.memory_space<vmem>>) offsets(%dma_start3A_268 : memref<128xi32, #tpu.memory_space<vmem>>) semaphore(%arg8 : memref<!tpu.dma_semaphore, #tpu.memory_space<semaphore_mem>>)
    %scan3A_271 = arith.constant 0 : i32
    %scan3A_272 = arith.constant 0 : i32
    %scan3A_273 = arith.constant 8 : i32
    %scan3A_274 = arith.addi %scan3A_272, %scan3A_273 : i32
    %scan3A_275 = arith.constant 1 : i32
    %scan3A_276 = scf.for %scan3A_598 = %scan3A_272 to %scan3A_274 step %scan3A_275 iter_args(%scan3A_599 = %scan3A_271) -> (i32)  : i32 {
      %mul3A_600 = arith.constant 16 : i32
      %mul3A_601 = arith.muli %scan3A_598, %mul3A_600 : i32
      %add3A_602 = arith.constant 2304 : i32
      %add3A_603 = arith.addi %add3A_602, %mul3A_601 : i32
      %get3A = arith.index_cast %add3A_603 : i32 to index
      %get3A_604 = tpu.vector_load %arg5[%get3A] {strides = array<i32>} : memref<3328xf32, #tpu.memory_space<vmem>>, vector<16xf32>,
      %get3A_605 = vector.shape_cast %get3A_604 : vector<16xf32> to vector<16xf32>
      %convert_element_type3A = arith.fptosi %get3A_605 : vector<16xf32> to vector<16xi32>
      %add3A_606 = arith.addi %mul3A_2, %add3A_603 : i32
      %add3A_607 = vector.broadcast %add3A_606 : i32 to vector<16xi32>
      %add3A_608 = arith.addi %add3A_607, %iota3A : vector<16xi32>
      %rem3A = arith.constant 26 : i32
      %rem3A_609 = vector.broadcast %rem3A : i32 to vector<16xi32>
      %rem3A_610 = arith.remsi %add3A_608, %rem3A_609 : vector<16xi32>
      %mul3A_611 = arith.constant 100000 : i32
      %mul3A_612 = vector.broadcast %mul3A_611 : i32 to vector<16xi32>
      %mul3A_613 = arith.muli %rem3A_610, %mul3A_612 : vector<16xi32>
      %add3A_614 = arith.addi %mul3A_613, %convert_element_type3A : vector<16xi32>
      %mul3A_615 = arith.constant 16 : i32
      %mul3A_616 = arith.muli %scan3A_598, %mul3A_615 : i32
      %swap3A = arith.constant 18 : i32
      %swap3A_617 = arith.index_cast %swap3A : i32 to index
      %swap3A_618 = arith.index_cast %mul3A_616 : i32 to index
      %swap3A_619 = tpu.vector_load %arg6[%swap3A_617, %swap3A_618] {strides = array<i32>} : memref<26x128xi32, #tpu.memory_space<vmem>>, vector<1x16xi32>,
      %swap3A_620 = vector.shape_cast %swap3A_619 : vector<1x16xi32> to vector<16xi32>
      %swap3A_621 = vector.shape_cast %add3A_614 : vector<16xi32> to vector<1x16xi32>
      tpu.vector_store %arg6[%swap3A_617, %swap3A_618], %swap3A_621 {strides = array<i32>} : memref<26x128xi32, #tpu.memory_space<vmem>>, vector<1x16xi32>,
      %scan3A_622 = arith.constant 0 : i32
      scf.yield %scan3A_622 : i32
    }
    %scan3A_277 = arith.constant 8 : i32
    %dma_start3A_278 = arith.constant 18 : i32
    %dma_start3A_279 = arith.constant 2304 : i32
    %dma_start3A_280 = tpu.memref_slice %arg7[%dma_start3A_279] : memref<3328xf32, #tpu.memory_space<vmem>> -> memref<128xf32, #tpu.memory_space<vmem>>
    %dma_start3A_281 = arith.constant 0 : i32
    %dma_start3A_282 = tpu.memref_slice %arg6[%dma_start3A_278, %dma_start3A_281] : memref<26x128xi32, #tpu.memory_space<vmem>> -> memref<1x128xi32, #tpu.memory_space<vmem>>
    %dma_start3A_283 = tpu.memref_squeeze %dma_start3A_282 : memref<1x128xi32, #tpu.memory_space<vmem>> -> memref<128xi32, #tpu.memory_space<vmem>>
    %dma_start3A_284 = arith.constant 0 : i32
    %dma_start3A_285 = tpu.memref_slice %arg2[%dma_start3A_284] : memref<2600000xf32, #tpu.memory_space<hbm>> -> memref<2600000xf32, #tpu.memory_space<hbm>>
    tpu.enqueue_indirect_dma source(%dma_start3A_285 : memref<2600000xf32, #tpu.memory_space<hbm>>) target(%dma_start3A_280 : memref<128xf32, #tpu.memory_space<vmem>>) offsets(%dma_start3A_283 : memref<128xi32, #tpu.memory_space<vmem>>) semaphore(%arg8 : memref<!tpu.dma_semaphore, #tpu.memory_space<semaphore_mem>>)
    %scan3A_286 = arith.constant 0 : i32
    %scan3A_287 = arith.constant 0 : i32
    %scan3A_288 = arith.constant 8 : i32
    %scan3A_289 = arith.addi %scan3A_287, %scan3A_288 : i32
    %scan3A_290 = arith.constant 1 : i32
    %scan3A_291 = scf.for %scan3A_598 = %scan3A_287 to %scan3A_289 step %scan3A_290 iter_args(%scan3A_599 = %scan3A_286) -> (i32)  : i32 {
      %mul3A_600 = arith.constant 16 : i32
      %mul3A_601 = arith.muli %scan3A_598, %mul3A_600 : i32
      %add3A_602 = arith.constant 2432 : i32
      %add3A_603 = arith.addi %add3A_602, %mul3A_601 : i32
      %get3A = arith.index_cast %add3A_603 : i32 to index
      %get3A_604 = tpu.vector_load %arg5[%get3A] {strides = array<i32>} : memref<3328xf32, #tpu.memory_space<vmem>>, vector<16xf32>,
      %get3A_605 = vector.shape_cast %get3A_604 : vector<16xf32> to vector<16xf32>
      %convert_element_type3A = arith.fptosi %get3A_605 : vector<16xf32> to vector<16xi32>
      %add3A_606 = arith.addi %mul3A_2, %add3A_603 : i32
      %add3A_607 = vector.broadcast %add3A_606 : i32 to vector<16xi32>
      %add3A_608 = arith.addi %add3A_607, %iota3A : vector<16xi32>
      %rem3A = arith.constant 26 : i32
      %rem3A_609 = vector.broadcast %rem3A : i32 to vector<16xi32>
      %rem3A_610 = arith.remsi %add3A_608, %rem3A_609 : vector<16xi32>
      %mul3A_611 = arith.constant 100000 : i32
      %mul3A_612 = vector.broadcast %mul3A_611 : i32 to vector<16xi32>
      %mul3A_613 = arith.muli %rem3A_610, %mul3A_612 : vector<16xi32>
      %add3A_614 = arith.addi %mul3A_613, %convert_element_type3A : vector<16xi32>
      %mul3A_615 = arith.constant 16 : i32
      %mul3A_616 = arith.muli %scan3A_598, %mul3A_615 : i32
      %swap3A = arith.constant 19 : i32
      %swap3A_617 = arith.index_cast %swap3A : i32 to index
      %swap3A_618 = arith.index_cast %mul3A_616 : i32 to index
      %swap3A_619 = tpu.vector_load %arg6[%swap3A_617, %swap3A_618] {strides = array<i32>} : memref<26x128xi32, #tpu.memory_space<vmem>>, vector<1x16xi32>,
      %swap3A_620 = vector.shape_cast %swap3A_619 : vector<1x16xi32> to vector<16xi32>
      %swap3A_621 = vector.shape_cast %add3A_614 : vector<16xi32> to vector<1x16xi32>
      tpu.vector_store %arg6[%swap3A_617, %swap3A_618], %swap3A_621 {strides = array<i32>} : memref<26x128xi32, #tpu.memory_space<vmem>>, vector<1x16xi32>,
      %scan3A_622 = arith.constant 0 : i32
      scf.yield %scan3A_622 : i32
    }
    %scan3A_292 = arith.constant 8 : i32
    %dma_start3A_293 = arith.constant 19 : i32
    %dma_start3A_294 = arith.constant 2432 : i32
    %dma_start3A_295 = tpu.memref_slice %arg7[%dma_start3A_294] : memref<3328xf32, #tpu.memory_space<vmem>> -> memref<128xf32, #tpu.memory_space<vmem>>
    %dma_start3A_296 = arith.constant 0 : i32
    %dma_start3A_297 = tpu.memref_slice %arg6[%dma_start3A_293, %dma_start3A_296] : memref<26x128xi32, #tpu.memory_space<vmem>> -> memref<1x128xi32, #tpu.memory_space<vmem>>
    %dma_start3A_298 = tpu.memref_squeeze %dma_start3A_297 : memref<1x128xi32, #tpu.memory_space<vmem>> -> memref<128xi32, #tpu.memory_space<vmem>>
    %dma_start3A_299 = arith.constant 0 : i32
    %dma_start3A_300 = tpu.memref_slice %arg2[%dma_start3A_299] : memref<2600000xf32, #tpu.memory_space<hbm>> -> memref<2600000xf32, #tpu.memory_space<hbm>>
    tpu.enqueue_indirect_dma source(%dma_start3A_300 : memref<2600000xf32, #tpu.memory_space<hbm>>) target(%dma_start3A_295 : memref<128xf32, #tpu.memory_space<vmem>>) offsets(%dma_start3A_298 : memref<128xi32, #tpu.memory_space<vmem>>) semaphore(%arg8 : memref<!tpu.dma_semaphore, #tpu.memory_space<semaphore_mem>>)
    %scan3A_301 = arith.constant 0 : i32
    %scan3A_302 = arith.constant 0 : i32
    %scan3A_303 = arith.constant 8 : i32
    %scan3A_304 = arith.addi %scan3A_302, %scan3A_303 : i32
    %scan3A_305 = arith.constant 1 : i32
    %scan3A_306 = scf.for %scan3A_598 = %scan3A_302 to %scan3A_304 step %scan3A_305 iter_args(%scan3A_599 = %scan3A_301) -> (i32)  : i32 {
      %mul3A_600 = arith.constant 16 : i32
      %mul3A_601 = arith.muli %scan3A_598, %mul3A_600 : i32
      %add3A_602 = arith.constant 2560 : i32
      %add3A_603 = arith.addi %add3A_602, %mul3A_601 : i32
      %get3A = arith.index_cast %add3A_603 : i32 to index
      %get3A_604 = tpu.vector_load %arg5[%get3A] {strides = array<i32>} : memref<3328xf32, #tpu.memory_space<vmem>>, vector<16xf32>,
      %get3A_605 = vector.shape_cast %get3A_604 : vector<16xf32> to vector<16xf32>
      %convert_element_type3A = arith.fptosi %get3A_605 : vector<16xf32> to vector<16xi32>
      %add3A_606 = arith.addi %mul3A_2, %add3A_603 : i32
      %add3A_607 = vector.broadcast %add3A_606 : i32 to vector<16xi32>
      %add3A_608 = arith.addi %add3A_607, %iota3A : vector<16xi32>
      %rem3A = arith.constant 26 : i32
      %rem3A_609 = vector.broadcast %rem3A : i32 to vector<16xi32>
      %rem3A_610 = arith.remsi %add3A_608, %rem3A_609 : vector<16xi32>
      %mul3A_611 = arith.constant 100000 : i32
      %mul3A_612 = vector.broadcast %mul3A_611 : i32 to vector<16xi32>
      %mul3A_613 = arith.muli %rem3A_610, %mul3A_612 : vector<16xi32>
      %add3A_614 = arith.addi %mul3A_613, %convert_element_type3A : vector<16xi32>
      %mul3A_615 = arith.constant 16 : i32
      %mul3A_616 = arith.muli %scan3A_598, %mul3A_615 : i32
      %swap3A = arith.constant 20 : i32
      %swap3A_617 = arith.index_cast %swap3A : i32 to index
      %swap3A_618 = arith.index_cast %mul3A_616 : i32 to index
      %swap3A_619 = tpu.vector_load %arg6[%swap3A_617, %swap3A_618] {strides = array<i32>} : memref<26x128xi32, #tpu.memory_space<vmem>>, vector<1x16xi32>,
      %swap3A_620 = vector.shape_cast %swap3A_619 : vector<1x16xi32> to vector<16xi32>
      %swap3A_621 = vector.shape_cast %add3A_614 : vector<16xi32> to vector<1x16xi32>
      tpu.vector_store %arg6[%swap3A_617, %swap3A_618], %swap3A_621 {strides = array<i32>} : memref<26x128xi32, #tpu.memory_space<vmem>>, vector<1x16xi32>,
      %scan3A_622 = arith.constant 0 : i32
      scf.yield %scan3A_622 : i32
    }
    %scan3A_307 = arith.constant 8 : i32
    %dma_start3A_308 = arith.constant 20 : i32
    %dma_start3A_309 = arith.constant 2560 : i32
    %dma_start3A_310 = tpu.memref_slice %arg7[%dma_start3A_309] : memref<3328xf32, #tpu.memory_space<vmem>> -> memref<128xf32, #tpu.memory_space<vmem>>
    %dma_start3A_311 = arith.constant 0 : i32
    %dma_start3A_312 = tpu.memref_slice %arg6[%dma_start3A_308, %dma_start3A_311] : memref<26x128xi32, #tpu.memory_space<vmem>> -> memref<1x128xi32, #tpu.memory_space<vmem>>
    %dma_start3A_313 = tpu.memref_squeeze %dma_start3A_312 : memref<1x128xi32, #tpu.memory_space<vmem>> -> memref<128xi32, #tpu.memory_space<vmem>>
    %dma_start3A_314 = arith.constant 0 : i32
    %dma_start3A_315 = tpu.memref_slice %arg2[%dma_start3A_314] : memref<2600000xf32, #tpu.memory_space<hbm>> -> memref<2600000xf32, #tpu.memory_space<hbm>>
    tpu.enqueue_indirect_dma source(%dma_start3A_315 : memref<2600000xf32, #tpu.memory_space<hbm>>) target(%dma_start3A_310 : memref<128xf32, #tpu.memory_space<vmem>>) offsets(%dma_start3A_313 : memref<128xi32, #tpu.memory_space<vmem>>) semaphore(%arg8 : memref<!tpu.dma_semaphore, #tpu.memory_space<semaphore_mem>>)
    %scan3A_316 = arith.constant 0 : i32
    %scan3A_317 = arith.constant 0 : i32
    %scan3A_318 = arith.constant 8 : i32
    %scan3A_319 = arith.addi %scan3A_317, %scan3A_318 : i32
    %scan3A_320 = arith.constant 1 : i32
    %scan3A_321 = scf.for %scan3A_598 = %scan3A_317 to %scan3A_319 step %scan3A_320 iter_args(%scan3A_599 = %scan3A_316) -> (i32)  : i32 {
      %mul3A_600 = arith.constant 16 : i32
      %mul3A_601 = arith.muli %scan3A_598, %mul3A_600 : i32
      %add3A_602 = arith.constant 2688 : i32
      %add3A_603 = arith.addi %add3A_602, %mul3A_601 : i32
      %get3A = arith.index_cast %add3A_603 : i32 to index
      %get3A_604 = tpu.vector_load %arg5[%get3A] {strides = array<i32>} : memref<3328xf32, #tpu.memory_space<vmem>>, vector<16xf32>,
      %get3A_605 = vector.shape_cast %get3A_604 : vector<16xf32> to vector<16xf32>
      %convert_element_type3A = arith.fptosi %get3A_605 : vector<16xf32> to vector<16xi32>
      %add3A_606 = arith.addi %mul3A_2, %add3A_603 : i32
      %add3A_607 = vector.broadcast %add3A_606 : i32 to vector<16xi32>
      %add3A_608 = arith.addi %add3A_607, %iota3A : vector<16xi32>
      %rem3A = arith.constant 26 : i32
      %rem3A_609 = vector.broadcast %rem3A : i32 to vector<16xi32>
      %rem3A_610 = arith.remsi %add3A_608, %rem3A_609 : vector<16xi32>
      %mul3A_611 = arith.constant 100000 : i32
      %mul3A_612 = vector.broadcast %mul3A_611 : i32 to vector<16xi32>
      %mul3A_613 = arith.muli %rem3A_610, %mul3A_612 : vector<16xi32>
      %add3A_614 = arith.addi %mul3A_613, %convert_element_type3A : vector<16xi32>
      %mul3A_615 = arith.constant 16 : i32
      %mul3A_616 = arith.muli %scan3A_598, %mul3A_615 : i32
      %swap3A = arith.constant 21 : i32
      %swap3A_617 = arith.index_cast %swap3A : i32 to index
      %swap3A_618 = arith.index_cast %mul3A_616 : i32 to index
      %swap3A_619 = tpu.vector_load %arg6[%swap3A_617, %swap3A_618] {strides = array<i32>} : memref<26x128xi32, #tpu.memory_space<vmem>>, vector<1x16xi32>,
      %swap3A_620 = vector.shape_cast %swap3A_619 : vector<1x16xi32> to vector<16xi32>
      %swap3A_621 = vector.shape_cast %add3A_614 : vector<16xi32> to vector<1x16xi32>
      tpu.vector_store %arg6[%swap3A_617, %swap3A_618], %swap3A_621 {strides = array<i32>} : memref<26x128xi32, #tpu.memory_space<vmem>>, vector<1x16xi32>,
      %scan3A_622 = arith.constant 0 : i32
      scf.yield %scan3A_622 : i32
    }
    %scan3A_322 = arith.constant 8 : i32
    %dma_start3A_323 = arith.constant 21 : i32
    %dma_start3A_324 = arith.constant 2688 : i32
    %dma_start3A_325 = tpu.memref_slice %arg7[%dma_start3A_324] : memref<3328xf32, #tpu.memory_space<vmem>> -> memref<128xf32, #tpu.memory_space<vmem>>
    %dma_start3A_326 = arith.constant 0 : i32
    %dma_start3A_327 = tpu.memref_slice %arg6[%dma_start3A_323, %dma_start3A_326] : memref<26x128xi32, #tpu.memory_space<vmem>> -> memref<1x128xi32, #tpu.memory_space<vmem>>
    %dma_start3A_328 = tpu.memref_squeeze %dma_start3A_327 : memref<1x128xi32, #tpu.memory_space<vmem>> -> memref<128xi32, #tpu.memory_space<vmem>>
    %dma_start3A_329 = arith.constant 0 : i32
    %dma_start3A_330 = tpu.memref_slice %arg2[%dma_start3A_329] : memref<2600000xf32, #tpu.memory_space<hbm>> -> memref<2600000xf32, #tpu.memory_space<hbm>>
    tpu.enqueue_indirect_dma source(%dma_start3A_330 : memref<2600000xf32, #tpu.memory_space<hbm>>) target(%dma_start3A_325 : memref<128xf32, #tpu.memory_space<vmem>>) offsets(%dma_start3A_328 : memref<128xi32, #tpu.memory_space<vmem>>) semaphore(%arg8 : memref<!tpu.dma_semaphore, #tpu.memory_space<semaphore_mem>>)
    %scan3A_331 = arith.constant 0 : i32
    %scan3A_332 = arith.constant 0 : i32
    %scan3A_333 = arith.constant 8 : i32
    %scan3A_334 = arith.addi %scan3A_332, %scan3A_333 : i32
    %scan3A_335 = arith.constant 1 : i32
    %scan3A_336 = scf.for %scan3A_598 = %scan3A_332 to %scan3A_334 step %scan3A_335 iter_args(%scan3A_599 = %scan3A_331) -> (i32)  : i32 {
      %mul3A_600 = arith.constant 16 : i32
      %mul3A_601 = arith.muli %scan3A_598, %mul3A_600 : i32
      %add3A_602 = arith.constant 2816 : i32
      %add3A_603 = arith.addi %add3A_602, %mul3A_601 : i32
      %get3A = arith.index_cast %add3A_603 : i32 to index
      %get3A_604 = tpu.vector_load %arg5[%get3A] {strides = array<i32>} : memref<3328xf32, #tpu.memory_space<vmem>>, vector<16xf32>,
      %get3A_605 = vector.shape_cast %get3A_604 : vector<16xf32> to vector<16xf32>
      %convert_element_type3A = arith.fptosi %get3A_605 : vector<16xf32> to vector<16xi32>
      %add3A_606 = arith.addi %mul3A_2, %add3A_603 : i32
      %add3A_607 = vector.broadcast %add3A_606 : i32 to vector<16xi32>
      %add3A_608 = arith.addi %add3A_607, %iota3A : vector<16xi32>
      %rem3A = arith.constant 26 : i32
      %rem3A_609 = vector.broadcast %rem3A : i32 to vector<16xi32>
      %rem3A_610 = arith.remsi %add3A_608, %rem3A_609 : vector<16xi32>
      %mul3A_611 = arith.constant 100000 : i32
      %mul3A_612 = vector.broadcast %mul3A_611 : i32 to vector<16xi32>
      %mul3A_613 = arith.muli %rem3A_610, %mul3A_612 : vector<16xi32>
      %add3A_614 = arith.addi %mul3A_613, %convert_element_type3A : vector<16xi32>
      %mul3A_615 = arith.constant 16 : i32
      %mul3A_616 = arith.muli %scan3A_598, %mul3A_615 : i32
      %swap3A = arith.constant 22 : i32
      %swap3A_617 = arith.index_cast %swap3A : i32 to index
      %swap3A_618 = arith.index_cast %mul3A_616 : i32 to index
      %swap3A_619 = tpu.vector_load %arg6[%swap3A_617, %swap3A_618] {strides = array<i32>} : memref<26x128xi32, #tpu.memory_space<vmem>>, vector<1x16xi32>,
      %swap3A_620 = vector.shape_cast %swap3A_619 : vector<1x16xi32> to vector<16xi32>
      %swap3A_621 = vector.shape_cast %add3A_614 : vector<16xi32> to vector<1x16xi32>
      tpu.vector_store %arg6[%swap3A_617, %swap3A_618], %swap3A_621 {strides = array<i32>} : memref<26x128xi32, #tpu.memory_space<vmem>>, vector<1x16xi32>,
      %scan3A_622 = arith.constant 0 : i32
      scf.yield %scan3A_622 : i32
    }
    %scan3A_337 = arith.constant 8 : i32
    %dma_start3A_338 = arith.constant 22 : i32
    %dma_start3A_339 = arith.constant 2816 : i32
    %dma_start3A_340 = tpu.memref_slice %arg7[%dma_start3A_339] : memref<3328xf32, #tpu.memory_space<vmem>> -> memref<128xf32, #tpu.memory_space<vmem>>
    %dma_start3A_341 = arith.constant 0 : i32
    %dma_start3A_342 = tpu.memref_slice %arg6[%dma_start3A_338, %dma_start3A_341] : memref<26x128xi32, #tpu.memory_space<vmem>> -> memref<1x128xi32, #tpu.memory_space<vmem>>
    %dma_start3A_343 = tpu.memref_squeeze %dma_start3A_342 : memref<1x128xi32, #tpu.memory_space<vmem>> -> memref<128xi32, #tpu.memory_space<vmem>>
    %dma_start3A_344 = arith.constant 0 : i32
    %dma_start3A_345 = tpu.memref_slice %arg2[%dma_start3A_344] : memref<2600000xf32, #tpu.memory_space<hbm>> -> memref<2600000xf32, #tpu.memory_space<hbm>>
    tpu.enqueue_indirect_dma source(%dma_start3A_345 : memref<2600000xf32, #tpu.memory_space<hbm>>) target(%dma_start3A_340 : memref<128xf32, #tpu.memory_space<vmem>>) offsets(%dma_start3A_343 : memref<128xi32, #tpu.memory_space<vmem>>) semaphore(%arg8 : memref<!tpu.dma_semaphore, #tpu.memory_space<semaphore_mem>>)
    %scan3A_346 = arith.constant 0 : i32
    %scan3A_347 = arith.constant 0 : i32
    %scan3A_348 = arith.constant 8 : i32
    %scan3A_349 = arith.addi %scan3A_347, %scan3A_348 : i32
    %scan3A_350 = arith.constant 1 : i32
    %scan3A_351 = scf.for %scan3A_598 = %scan3A_347 to %scan3A_349 step %scan3A_350 iter_args(%scan3A_599 = %scan3A_346) -> (i32)  : i32 {
      %mul3A_600 = arith.constant 16 : i32
      %mul3A_601 = arith.muli %scan3A_598, %mul3A_600 : i32
      %add3A_602 = arith.constant 2944 : i32
      %add3A_603 = arith.addi %add3A_602, %mul3A_601 : i32
      %get3A = arith.index_cast %add3A_603 : i32 to index
      %get3A_604 = tpu.vector_load %arg5[%get3A] {strides = array<i32>} : memref<3328xf32, #tpu.memory_space<vmem>>, vector<16xf32>,
      %get3A_605 = vector.shape_cast %get3A_604 : vector<16xf32> to vector<16xf32>
      %convert_element_type3A = arith.fptosi %get3A_605 : vector<16xf32> to vector<16xi32>
      %add3A_606 = arith.addi %mul3A_2, %add3A_603 : i32
      %add3A_607 = vector.broadcast %add3A_606 : i32 to vector<16xi32>
      %add3A_608 = arith.addi %add3A_607, %iota3A : vector<16xi32>
      %rem3A = arith.constant 26 : i32
      %rem3A_609 = vector.broadcast %rem3A : i32 to vector<16xi32>
      %rem3A_610 = arith.remsi %add3A_608, %rem3A_609 : vector<16xi32>
      %mul3A_611 = arith.constant 100000 : i32
      %mul3A_612 = vector.broadcast %mul3A_611 : i32 to vector<16xi32>
      %mul3A_613 = arith.muli %rem3A_610, %mul3A_612 : vector<16xi32>
      %add3A_614 = arith.addi %mul3A_613, %convert_element_type3A : vector<16xi32>
      %mul3A_615 = arith.constant 16 : i32
      %mul3A_616 = arith.muli %scan3A_598, %mul3A_615 : i32
      %swap3A = arith.constant 23 : i32
      %swap3A_617 = arith.index_cast %swap3A : i32 to index
      %swap3A_618 = arith.index_cast %mul3A_616 : i32 to index
      %swap3A_619 = tpu.vector_load %arg6[%swap3A_617, %swap3A_618] {strides = array<i32>} : memref<26x128xi32, #tpu.memory_space<vmem>>, vector<1x16xi32>,
      %swap3A_620 = vector.shape_cast %swap3A_619 : vector<1x16xi32> to vector<16xi32>
      %swap3A_621 = vector.shape_cast %add3A_614 : vector<16xi32> to vector<1x16xi32>
      tpu.vector_store %arg6[%swap3A_617, %swap3A_618], %swap3A_621 {strides = array<i32>} : memref<26x128xi32, #tpu.memory_space<vmem>>, vector<1x16xi32>,
      %scan3A_622 = arith.constant 0 : i32
      scf.yield %scan3A_622 : i32
    }
    %scan3A_352 = arith.constant 8 : i32
    %dma_start3A_353 = arith.constant 23 : i32
    %dma_start3A_354 = arith.constant 2944 : i32
    %dma_start3A_355 = tpu.memref_slice %arg7[%dma_start3A_354] : memref<3328xf32, #tpu.memory_space<vmem>> -> memref<128xf32, #tpu.memory_space<vmem>>
    %dma_start3A_356 = arith.constant 0 : i32
    %dma_start3A_357 = tpu.memref_slice %arg6[%dma_start3A_353, %dma_start3A_356] : memref<26x128xi32, #tpu.memory_space<vmem>> -> memref<1x128xi32, #tpu.memory_space<vmem>>
    %dma_start3A_358 = tpu.memref_squeeze %dma_start3A_357 : memref<1x128xi32, #tpu.memory_space<vmem>> -> memref<128xi32, #tpu.memory_space<vmem>>
    %dma_start3A_359 = arith.constant 0 : i32
    %dma_start3A_360 = tpu.memref_slice %arg2[%dma_start3A_359] : memref<2600000xf32, #tpu.memory_space<hbm>> -> memref<2600000xf32, #tpu.memory_space<hbm>>
    tpu.enqueue_indirect_dma source(%dma_start3A_360 : memref<2600000xf32, #tpu.memory_space<hbm>>) target(%dma_start3A_355 : memref<128xf32, #tpu.memory_space<vmem>>) offsets(%dma_start3A_358 : memref<128xi32, #tpu.memory_space<vmem>>) semaphore(%arg8 : memref<!tpu.dma_semaphore, #tpu.memory_space<semaphore_mem>>)
    %scan3A_361 = arith.constant 0 : i32
    %scan3A_362 = arith.constant 0 : i32
    %scan3A_363 = arith.constant 8 : i32
    %scan3A_364 = arith.addi %scan3A_362, %scan3A_363 : i32
    %scan3A_365 = arith.constant 1 : i32
    %scan3A_366 = scf.for %scan3A_598 = %scan3A_362 to %scan3A_364 step %scan3A_365 iter_args(%scan3A_599 = %scan3A_361) -> (i32)  : i32 {
      %mul3A_600 = arith.constant 16 : i32
      %mul3A_601 = arith.muli %scan3A_598, %mul3A_600 : i32
      %add3A_602 = arith.constant 3072 : i32
      %add3A_603 = arith.addi %add3A_602, %mul3A_601 : i32
      %get3A = arith.index_cast %add3A_603 : i32 to index
      %get3A_604 = tpu.vector_load %arg5[%get3A] {strides = array<i32>} : memref<3328xf32, #tpu.memory_space<vmem>>, vector<16xf32>,
      %get3A_605 = vector.shape_cast %get3A_604 : vector<16xf32> to vector<16xf32>
      %convert_element_type3A = arith.fptosi %get3A_605 : vector<16xf32> to vector<16xi32>
      %add3A_606 = arith.addi %mul3A_2, %add3A_603 : i32
      %add3A_607 = vector.broadcast %add3A_606 : i32 to vector<16xi32>
      %add3A_608 = arith.addi %add3A_607, %iota3A : vector<16xi32>
      %rem3A = arith.constant 26 : i32
      %rem3A_609 = vector.broadcast %rem3A : i32 to vector<16xi32>
      %rem3A_610 = arith.remsi %add3A_608, %rem3A_609 : vector<16xi32>
      %mul3A_611 = arith.constant 100000 : i32
      %mul3A_612 = vector.broadcast %mul3A_611 : i32 to vector<16xi32>
      %mul3A_613 = arith.muli %rem3A_610, %mul3A_612 : vector<16xi32>
      %add3A_614 = arith.addi %mul3A_613, %convert_element_type3A : vector<16xi32>
      %mul3A_615 = arith.constant 16 : i32
      %mul3A_616 = arith.muli %scan3A_598, %mul3A_615 : i32
      %swap3A = arith.constant 24 : i32
      %swap3A_617 = arith.index_cast %swap3A : i32 to index
      %swap3A_618 = arith.index_cast %mul3A_616 : i32 to index
      %swap3A_619 = tpu.vector_load %arg6[%swap3A_617, %swap3A_618] {strides = array<i32>} : memref<26x128xi32, #tpu.memory_space<vmem>>, vector<1x16xi32>,
      %swap3A_620 = vector.shape_cast %swap3A_619 : vector<1x16xi32> to vector<16xi32>
      %swap3A_621 = vector.shape_cast %add3A_614 : vector<16xi32> to vector<1x16xi32>
      tpu.vector_store %arg6[%swap3A_617, %swap3A_618], %swap3A_621 {strides = array<i32>} : memref<26x128xi32, #tpu.memory_space<vmem>>, vector<1x16xi32>,
      %scan3A_622 = arith.constant 0 : i32
      scf.yield %scan3A_622 : i32
    }
    %scan3A_367 = arith.constant 8 : i32
    %dma_start3A_368 = arith.constant 24 : i32
    %dma_start3A_369 = arith.constant 3072 : i32
    %dma_start3A_370 = tpu.memref_slice %arg7[%dma_start3A_369] : memref<3328xf32, #tpu.memory_space<vmem>> -> memref<128xf32, #tpu.memory_space<vmem>>
    %dma_start3A_371 = arith.constant 0 : i32
    %dma_start3A_372 = tpu.memref_slice %arg6[%dma_start3A_368, %dma_start3A_371] : memref<26x128xi32, #tpu.memory_space<vmem>> -> memref<1x128xi32, #tpu.memory_space<vmem>>
    %dma_start3A_373 = tpu.memref_squeeze %dma_start3A_372 : memref<1x128xi32, #tpu.memory_space<vmem>> -> memref<128xi32, #tpu.memory_space<vmem>>
    %dma_start3A_374 = arith.constant 0 : i32
    %dma_start3A_375 = tpu.memref_slice %arg2[%dma_start3A_374] : memref<2600000xf32, #tpu.memory_space<hbm>> -> memref<2600000xf32, #tpu.memory_space<hbm>>
    tpu.enqueue_indirect_dma source(%dma_start3A_375 : memref<2600000xf32, #tpu.memory_space<hbm>>) target(%dma_start3A_370 : memref<128xf32, #tpu.memory_space<vmem>>) offsets(%dma_start3A_373 : memref<128xi32, #tpu.memory_space<vmem>>) semaphore(%arg8 : memref<!tpu.dma_semaphore, #tpu.memory_space<semaphore_mem>>)
    %scan3A_376 = arith.constant 0 : i32
    %scan3A_377 = arith.constant 0 : i32
    %scan3A_378 = arith.constant 8 : i32
    %scan3A_379 = arith.addi %scan3A_377, %scan3A_378 : i32
    %scan3A_380 = arith.constant 1 : i32
    %scan3A_381 = scf.for %scan3A_598 = %scan3A_377 to %scan3A_379 step %scan3A_380 iter_args(%scan3A_599 = %scan3A_376) -> (i32)  : i32 {
      %mul3A_600 = arith.constant 16 : i32
      %mul3A_601 = arith.muli %scan3A_598, %mul3A_600 : i32
      %add3A_602 = arith.constant 3200 : i32
      %add3A_603 = arith.addi %add3A_602, %mul3A_601 : i32
      %get3A = arith.index_cast %add3A_603 : i32 to index
      %get3A_604 = tpu.vector_load %arg5[%get3A] {strides = array<i32>} : memref<3328xf32, #tpu.memory_space<vmem>>, vector<16xf32>,
      %get3A_605 = vector.shape_cast %get3A_604 : vector<16xf32> to vector<16xf32>
      %convert_element_type3A = arith.fptosi %get3A_605 : vector<16xf32> to vector<16xi32>
      %add3A_606 = arith.addi %mul3A_2, %add3A_603 : i32
      %add3A_607 = vector.broadcast %add3A_606 : i32 to vector<16xi32>
      %add3A_608 = arith.addi %add3A_607, %iota3A : vector<16xi32>
      %rem3A = arith.constant 26 : i32
      %rem3A_609 = vector.broadcast %rem3A : i32 to vector<16xi32>
      %rem3A_610 = arith.remsi %add3A_608, %rem3A_609 : vector<16xi32>
      %mul3A_611 = arith.constant 100000 : i32
      %mul3A_612 = vector.broadcast %mul3A_611 : i32 to vector<16xi32>
      %mul3A_613 = arith.muli %rem3A_610, %mul3A_612 : vector<16xi32>
      %add3A_614 = arith.addi %mul3A_613, %convert_element_type3A : vector<16xi32>
      %mul3A_615 = arith.constant 16 : i32
      %mul3A_616 = arith.muli %scan3A_598, %mul3A_615 : i32
      %swap3A = arith.constant 25 : i32
      %swap3A_617 = arith.index_cast %swap3A : i32 to index
      %swap3A_618 = arith.index_cast %mul3A_616 : i32 to index
      %swap3A_619 = tpu.vector_load %arg6[%swap3A_617, %swap3A_618] {strides = array<i32>} : memref<26x128xi32, #tpu.memory_space<vmem>>, vector<1x16xi32>,
      %swap3A_620 = vector.shape_cast %swap3A_619 : vector<1x16xi32> to vector<16xi32>
      %swap3A_621 = vector.shape_cast %add3A_614 : vector<16xi32> to vector<1x16xi32>
      tpu.vector_store %arg6[%swap3A_617, %swap3A_618], %swap3A_621 {strides = array<i32>} : memref<26x128xi32, #tpu.memory_space<vmem>>, vector<1x16xi32>,
      %scan3A_622 = arith.constant 0 : i32
      scf.yield %scan3A_622 : i32
    }
    %scan3A_382 = arith.constant 8 : i32
    %dma_start3A_383 = arith.constant 25 : i32
    %dma_start3A_384 = arith.constant 3200 : i32
    %dma_start3A_385 = tpu.memref_slice %arg7[%dma_start3A_384] : memref<3328xf32, #tpu.memory_space<vmem>> -> memref<128xf32, #tpu.memory_space<vmem>>
    %dma_start3A_386 = arith.constant 0 : i32
    %dma_start3A_387 = tpu.memref_slice %arg6[%dma_start3A_383, %dma_start3A_386] : memref<26x128xi32, #tpu.memory_space<vmem>> -> memref<1x128xi32, #tpu.memory_space<vmem>>
    %dma_start3A_388 = tpu.memref_squeeze %dma_start3A_387 : memref<1x128xi32, #tpu.memory_space<vmem>> -> memref<128xi32, #tpu.memory_space<vmem>>
    %dma_start3A_389 = arith.constant 0 : i32
    %dma_start3A_390 = tpu.memref_slice %arg2[%dma_start3A_389] : memref<2600000xf32, #tpu.memory_space<hbm>> -> memref<2600000xf32, #tpu.memory_space<hbm>>
    tpu.enqueue_indirect_dma source(%dma_start3A_390 : memref<2600000xf32, #tpu.memory_space<hbm>>) target(%dma_start3A_385 : memref<128xf32, #tpu.memory_space<vmem>>) offsets(%dma_start3A_388 : memref<128xi32, #tpu.memory_space<vmem>>) semaphore(%arg8 : memref<!tpu.dma_semaphore, #tpu.memory_space<semaphore_mem>>)
    %dma_wait3A = arith.constant 0 : i32
    %dma_wait3A_391 = arith.constant 0 : i32
    %dma_wait3A_392 = tpu.memref_slice %arg7[%dma_wait3A_391] : memref<3328xf32, #tpu.memory_space<vmem>> -> memref<128xf32, #tpu.memory_space<vmem>>
    %dma_wait3A_393 = arith.constant 0 : i32
    %dma_wait3A_394 = tpu.memref_slice %arg6[%dma_wait3A, %dma_wait3A_393] : memref<26x128xi32, #tpu.memory_space<vmem>> -> memref<1x128xi32, #tpu.memory_space<vmem>>
    %dma_wait3A_395 = tpu.memref_squeeze %dma_wait3A_394 : memref<1x128xi32, #tpu.memory_space<vmem>> -> memref<128xi32, #tpu.memory_space<vmem>>
    %dma_wait3A_396 = arith.constant 0 : i32
    %dma_wait3A_397 = tpu.memref_slice %arg2[%dma_wait3A_396] : memref<2600000xf32, #tpu.memory_space<hbm>> -> memref<2600000xf32, #tpu.memory_space<hbm>>
    tpu.wait_indirect_dma semaphore(%arg8 : memref<!tpu.dma_semaphore, #tpu.memory_space<semaphore_mem>>) src(%dma_wait3A_397 : memref<2600000xf32, #tpu.memory_space<hbm>>) dst(%dma_wait3A_392 : memref<128xf32, #tpu.memory_space<vmem>>)
    %dma_wait3A_398 = arith.constant 1 : i32
    %dma_wait3A_399 = arith.constant 128 : i32
    %dma_wait3A_400 = tpu.memref_slice %arg7[%dma_wait3A_399] : memref<3328xf32, #tpu.memory_space<vmem>> -> memref<128xf32, #tpu.memory_space<vmem>>
    %dma_wait3A_401 = arith.constant 0 : i32
    %dma_wait3A_402 = tpu.memref_slice %arg6[%dma_wait3A_398, %dma_wait3A_401] : memref<26x128xi32, #tpu.memory_space<vmem>> -> memref<1x128xi32, #tpu.memory_space<vmem>>
    %dma_wait3A_403 = tpu.memref_squeeze %dma_wait3A_402 : memref<1x128xi32, #tpu.memory_space<vmem>> -> memref<128xi32, #tpu.memory_space<vmem>>
    %dma_wait3A_404 = arith.constant 0 : i32
    %dma_wait3A_405 = tpu.memref_slice %arg2[%dma_wait3A_404] : memref<2600000xf32, #tpu.memory_space<hbm>> -> memref<2600000xf32, #tpu.memory_space<hbm>>
    tpu.wait_indirect_dma semaphore(%arg8 : memref<!tpu.dma_semaphore, #tpu.memory_space<semaphore_mem>>) src(%dma_wait3A_405 : memref<2600000xf32, #tpu.memory_space<hbm>>) dst(%dma_wait3A_400 : memref<128xf32, #tpu.memory_space<vmem>>)
    %dma_wait3A_406 = arith.constant 2 : i32
    %dma_wait3A_407 = arith.constant 256 : i32
    %dma_wait3A_408 = tpu.memref_slice %arg7[%dma_wait3A_407] : memref<3328xf32, #tpu.memory_space<vmem>> -> memref<128xf32, #tpu.memory_space<vmem>>
    %dma_wait3A_409 = arith.constant 0 : i32
    %dma_wait3A_410 = tpu.memref_slice %arg6[%dma_wait3A_406, %dma_wait3A_409] : memref<26x128xi32, #tpu.memory_space<vmem>> -> memref<1x128xi32, #tpu.memory_space<vmem>>
    %dma_wait3A_411 = tpu.memref_squeeze %dma_wait3A_410 : memref<1x128xi32, #tpu.memory_space<vmem>> -> memref<128xi32, #tpu.memory_space<vmem>>
    %dma_wait3A_412 = arith.constant 0 : i32
    %dma_wait3A_413 = tpu.memref_slice %arg2[%dma_wait3A_412] : memref<2600000xf32, #tpu.memory_space<hbm>> -> memref<2600000xf32, #tpu.memory_space<hbm>>
    tpu.wait_indirect_dma semaphore(%arg8 : memref<!tpu.dma_semaphore, #tpu.memory_space<semaphore_mem>>) src(%dma_wait3A_413 : memref<2600000xf32, #tpu.memory_space<hbm>>) dst(%dma_wait3A_408 : memref<128xf32, #tpu.memory_space<vmem>>)
    %dma_wait3A_414 = arith.constant 3 : i32
    %dma_wait3A_415 = arith.constant 384 : i32
    %dma_wait3A_416 = tpu.memref_slice %arg7[%dma_wait3A_415] : memref<3328xf32, #tpu.memory_space<vmem>> -> memref<128xf32, #tpu.memory_space<vmem>>
    %dma_wait3A_417 = arith.constant 0 : i32
    %dma_wait3A_418 = tpu.memref_slice %arg6[%dma_wait3A_414, %dma_wait3A_417] : memref<26x128xi32, #tpu.memory_space<vmem>> -> memref<1x128xi32, #tpu.memory_space<vmem>>
    %dma_wait3A_419 = tpu.memref_squeeze %dma_wait3A_418 : memref<1x128xi32, #tpu.memory_space<vmem>> -> memref<128xi32, #tpu.memory_space<vmem>>
    %dma_wait3A_420 = arith.constant 0 : i32
    %dma_wait3A_421 = tpu.memref_slice %arg2[%dma_wait3A_420] : memref<2600000xf32, #tpu.memory_space<hbm>> -> memref<2600000xf32, #tpu.memory_space<hbm>>
    tpu.wait_indirect_dma semaphore(%arg8 : memref<!tpu.dma_semaphore, #tpu.memory_space<semaphore_mem>>) src(%dma_wait3A_421 : memref<2600000xf32, #tpu.memory_space<hbm>>) dst(%dma_wait3A_416 : memref<128xf32, #tpu.memory_space<vmem>>)
    %dma_wait3A_422 = arith.constant 4 : i32
    %dma_wait3A_423 = arith.constant 512 : i32
    %dma_wait3A_424 = tpu.memref_slice %arg7[%dma_wait3A_423] : memref<3328xf32, #tpu.memory_space<vmem>> -> memref<128xf32, #tpu.memory_space<vmem>>
    %dma_wait3A_425 = arith.constant 0 : i32
    %dma_wait3A_426 = tpu.memref_slice %arg6[%dma_wait3A_422, %dma_wait3A_425] : memref<26x128xi32, #tpu.memory_space<vmem>> -> memref<1x128xi32, #tpu.memory_space<vmem>>
    %dma_wait3A_427 = tpu.memref_squeeze %dma_wait3A_426 : memref<1x128xi32, #tpu.memory_space<vmem>> -> memref<128xi32, #tpu.memory_space<vmem>>
    %dma_wait3A_428 = arith.constant 0 : i32
    %dma_wait3A_429 = tpu.memref_slice %arg2[%dma_wait3A_428] : memref<2600000xf32, #tpu.memory_space<hbm>> -> memref<2600000xf32, #tpu.memory_space<hbm>>
    tpu.wait_indirect_dma semaphore(%arg8 : memref<!tpu.dma_semaphore, #tpu.memory_space<semaphore_mem>>) src(%dma_wait3A_429 : memref<2600000xf32, #tpu.memory_space<hbm>>) dst(%dma_wait3A_424 : memref<128xf32, #tpu.memory_space<vmem>>)
    %dma_wait3A_430 = arith.constant 5 : i32
    %dma_wait3A_431 = arith.constant 640 : i32
    %dma_wait3A_432 = tpu.memref_slice %arg7[%dma_wait3A_431] : memref<3328xf32, #tpu.memory_space<vmem>> -> memref<128xf32, #tpu.memory_space<vmem>>
    %dma_wait3A_433 = arith.constant 0 : i32
    %dma_wait3A_434 = tpu.memref_slice %arg6[%dma_wait3A_430, %dma_wait3A_433] : memref<26x128xi32, #tpu.memory_space<vmem>> -> memref<1x128xi32, #tpu.memory_space<vmem>>
    %dma_wait3A_435 = tpu.memref_squeeze %dma_wait3A_434 : memref<1x128xi32, #tpu.memory_space<vmem>> -> memref<128xi32, #tpu.memory_space<vmem>>
    %dma_wait3A_436 = arith.constant 0 : i32
    %dma_wait3A_437 = tpu.memref_slice %arg2[%dma_wait3A_436] : memref<2600000xf32, #tpu.memory_space<hbm>> -> memref<2600000xf32, #tpu.memory_space<hbm>>
    tpu.wait_indirect_dma semaphore(%arg8 : memref<!tpu.dma_semaphore, #tpu.memory_space<semaphore_mem>>) src(%dma_wait3A_437 : memref<2600000xf32, #tpu.memory_space<hbm>>) dst(%dma_wait3A_432 : memref<128xf32, #tpu.memory_space<vmem>>)
    %dma_wait3A_438 = arith.constant 6 : i32
    %dma_wait3A_439 = arith.constant 768 : i32
    %dma_wait3A_440 = tpu.memref_slice %arg7[%dma_wait3A_439] : memref<3328xf32, #tpu.memory_space<vmem>> -> memref<128xf32, #tpu.memory_space<vmem>>
    %dma_wait3A_441 = arith.constant 0 : i32
    %dma_wait3A_442 = tpu.memref_slice %arg6[%dma_wait3A_438, %dma_wait3A_441] : memref<26x128xi32, #tpu.memory_space<vmem>> -> memref<1x128xi32, #tpu.memory_space<vmem>>
    %dma_wait3A_443 = tpu.memref_squeeze %dma_wait3A_442 : memref<1x128xi32, #tpu.memory_space<vmem>> -> memref<128xi32, #tpu.memory_space<vmem>>
    %dma_wait3A_444 = arith.constant 0 : i32
    %dma_wait3A_445 = tpu.memref_slice %arg2[%dma_wait3A_444] : memref<2600000xf32, #tpu.memory_space<hbm>> -> memref<2600000xf32, #tpu.memory_space<hbm>>
    tpu.wait_indirect_dma semaphore(%arg8 : memref<!tpu.dma_semaphore, #tpu.memory_space<semaphore_mem>>) src(%dma_wait3A_445 : memref<2600000xf32, #tpu.memory_space<hbm>>) dst(%dma_wait3A_440 : memref<128xf32, #tpu.memory_space<vmem>>)
    %dma_wait3A_446 = arith.constant 7 : i32
    %dma_wait3A_447 = arith.constant 896 : i32
    %dma_wait3A_448 = tpu.memref_slice %arg7[%dma_wait3A_447] : memref<3328xf32, #tpu.memory_space<vmem>> -> memref<128xf32, #tpu.memory_space<vmem>>
    %dma_wait3A_449 = arith.constant 0 : i32
    %dma_wait3A_450 = tpu.memref_slice %arg6[%dma_wait3A_446, %dma_wait3A_449] : memref<26x128xi32, #tpu.memory_space<vmem>> -> memref<1x128xi32, #tpu.memory_space<vmem>>
    %dma_wait3A_451 = tpu.memref_squeeze %dma_wait3A_450 : memref<1x128xi32, #tpu.memory_space<vmem>> -> memref<128xi32, #tpu.memory_space<vmem>>
    %dma_wait3A_452 = arith.constant 0 : i32
    %dma_wait3A_453 = tpu.memref_slice %arg2[%dma_wait3A_452] : memref<2600000xf32, #tpu.memory_space<hbm>> -> memref<2600000xf32, #tpu.memory_space<hbm>>
    tpu.wait_indirect_dma semaphore(%arg8 : memref<!tpu.dma_semaphore, #tpu.memory_space<semaphore_mem>>) src(%dma_wait3A_453 : memref<2600000xf32, #tpu.memory_space<hbm>>) dst(%dma_wait3A_448 : memref<128xf32, #tpu.memory_space<vmem>>)
    %dma_wait3A_454 = arith.constant 8 : i32
    %dma_wait3A_455 = arith.constant 1024 : i32
    %dma_wait3A_456 = tpu.memref_slice %arg7[%dma_wait3A_455] : memref<3328xf32, #tpu.memory_space<vmem>> -> memref<128xf32, #tpu.memory_space<vmem>>
    %dma_wait3A_457 = arith.constant 0 : i32
    %dma_wait3A_458 = tpu.memref_slice %arg6[%dma_wait3A_454, %dma_wait3A_457] : memref<26x128xi32, #tpu.memory_space<vmem>> -> memref<1x128xi32, #tpu.memory_space<vmem>>
    %dma_wait3A_459 = tpu.memref_squeeze %dma_wait3A_458 : memref<1x128xi32, #tpu.memory_space<vmem>> -> memref<128xi32, #tpu.memory_space<vmem>>
    %dma_wait3A_460 = arith.constant 0 : i32
    %dma_wait3A_461 = tpu.memref_slice %arg2[%dma_wait3A_460] : memref<2600000xf32, #tpu.memory_space<hbm>> -> memref<2600000xf32, #tpu.memory_space<hbm>>
    tpu.wait_indirect_dma semaphore(%arg8 : memref<!tpu.dma_semaphore, #tpu.memory_space<semaphore_mem>>) src(%dma_wait3A_461 : memref<2600000xf32, #tpu.memory_space<hbm>>) dst(%dma_wait3A_456 : memref<128xf32, #tpu.memory_space<vmem>>)
    %dma_wait3A_462 = arith.constant 9 : i32
    %dma_wait3A_463 = arith.constant 1152 : i32
    %dma_wait3A_464 = tpu.memref_slice %arg7[%dma_wait3A_463] : memref<3328xf32, #tpu.memory_space<vmem>> -> memref<128xf32, #tpu.memory_space<vmem>>
    %dma_wait3A_465 = arith.constant 0 : i32
    %dma_wait3A_466 = tpu.memref_slice %arg6[%dma_wait3A_462, %dma_wait3A_465] : memref<26x128xi32, #tpu.memory_space<vmem>> -> memref<1x128xi32, #tpu.memory_space<vmem>>
    %dma_wait3A_467 = tpu.memref_squeeze %dma_wait3A_466 : memref<1x128xi32, #tpu.memory_space<vmem>> -> memref<128xi32, #tpu.memory_space<vmem>>
    %dma_wait3A_468 = arith.constant 0 : i32
    %dma_wait3A_469 = tpu.memref_slice %arg2[%dma_wait3A_468] : memref<2600000xf32, #tpu.memory_space<hbm>> -> memref<2600000xf32, #tpu.memory_space<hbm>>
    tpu.wait_indirect_dma semaphore(%arg8 : memref<!tpu.dma_semaphore, #tpu.memory_space<semaphore_mem>>) src(%dma_wait3A_469 : memref<2600000xf32, #tpu.memory_space<hbm>>) dst(%dma_wait3A_464 : memref<128xf32, #tpu.memory_space<vmem>>)
    %dma_wait3A_470 = arith.constant 10 : i32
    %dma_wait3A_471 = arith.constant 1280 : i32
    %dma_wait3A_472 = tpu.memref_slice %arg7[%dma_wait3A_471] : memref<3328xf32, #tpu.memory_space<vmem>> -> memref<128xf32, #tpu.memory_space<vmem>>
    %dma_wait3A_473 = arith.constant 0 : i32
    %dma_wait3A_474 = tpu.memref_slice %arg6[%dma_wait3A_470, %dma_wait3A_473] : memref<26x128xi32, #tpu.memory_space<vmem>> -> memref<1x128xi32, #tpu.memory_space<vmem>>
    %dma_wait3A_475 = tpu.memref_squeeze %dma_wait3A_474 : memref<1x128xi32, #tpu.memory_space<vmem>> -> memref<128xi32, #tpu.memory_space<vmem>>
    %dma_wait3A_476 = arith.constant 0 : i32
    %dma_wait3A_477 = tpu.memref_slice %arg2[%dma_wait3A_476] : memref<2600000xf32, #tpu.memory_space<hbm>> -> memref<2600000xf32, #tpu.memory_space<hbm>>
    tpu.wait_indirect_dma semaphore(%arg8 : memref<!tpu.dma_semaphore, #tpu.memory_space<semaphore_mem>>) src(%dma_wait3A_477 : memref<2600000xf32, #tpu.memory_space<hbm>>) dst(%dma_wait3A_472 : memref<128xf32, #tpu.memory_space<vmem>>)
    %dma_wait3A_478 = arith.constant 11 : i32
    %dma_wait3A_479 = arith.constant 1408 : i32
    %dma_wait3A_480 = tpu.memref_slice %arg7[%dma_wait3A_479] : memref<3328xf32, #tpu.memory_space<vmem>> -> memref<128xf32, #tpu.memory_space<vmem>>
    %dma_wait3A_481 = arith.constant 0 : i32
    %dma_wait3A_482 = tpu.memref_slice %arg6[%dma_wait3A_478, %dma_wait3A_481] : memref<26x128xi32, #tpu.memory_space<vmem>> -> memref<1x128xi32, #tpu.memory_space<vmem>>
    %dma_wait3A_483 = tpu.memref_squeeze %dma_wait3A_482 : memref<1x128xi32, #tpu.memory_space<vmem>> -> memref<128xi32, #tpu.memory_space<vmem>>
    %dma_wait3A_484 = arith.constant 0 : i32
    %dma_wait3A_485 = tpu.memref_slice %arg2[%dma_wait3A_484] : memref<2600000xf32, #tpu.memory_space<hbm>> -> memref<2600000xf32, #tpu.memory_space<hbm>>
    tpu.wait_indirect_dma semaphore(%arg8 : memref<!tpu.dma_semaphore, #tpu.memory_space<semaphore_mem>>) src(%dma_wait3A_485 : memref<2600000xf32, #tpu.memory_space<hbm>>) dst(%dma_wait3A_480 : memref<128xf32, #tpu.memory_space<vmem>>)
    %dma_wait3A_486 = arith.constant 12 : i32
    %dma_wait3A_487 = arith.constant 1536 : i32
    %dma_wait3A_488 = tpu.memref_slice %arg7[%dma_wait3A_487] : memref<3328xf32, #tpu.memory_space<vmem>> -> memref<128xf32, #tpu.memory_space<vmem>>
    %dma_wait3A_489 = arith.constant 0 : i32
    %dma_wait3A_490 = tpu.memref_slice %arg6[%dma_wait3A_486, %dma_wait3A_489] : memref<26x128xi32, #tpu.memory_space<vmem>> -> memref<1x128xi32, #tpu.memory_space<vmem>>
    %dma_wait3A_491 = tpu.memref_squeeze %dma_wait3A_490 : memref<1x128xi32, #tpu.memory_space<vmem>> -> memref<128xi32, #tpu.memory_space<vmem>>
    %dma_wait3A_492 = arith.constant 0 : i32
    %dma_wait3A_493 = tpu.memref_slice %arg2[%dma_wait3A_492] : memref<2600000xf32, #tpu.memory_space<hbm>> -> memref<2600000xf32, #tpu.memory_space<hbm>>
    tpu.wait_indirect_dma semaphore(%arg8 : memref<!tpu.dma_semaphore, #tpu.memory_space<semaphore_mem>>) src(%dma_wait3A_493 : memref<2600000xf32, #tpu.memory_space<hbm>>) dst(%dma_wait3A_488 : memref<128xf32, #tpu.memory_space<vmem>>)
    %dma_wait3A_494 = arith.constant 13 : i32
    %dma_wait3A_495 = arith.constant 1664 : i32
    %dma_wait3A_496 = tpu.memref_slice %arg7[%dma_wait3A_495] : memref<3328xf32, #tpu.memory_space<vmem>> -> memref<128xf32, #tpu.memory_space<vmem>>
    %dma_wait3A_497 = arith.constant 0 : i32
    %dma_wait3A_498 = tpu.memref_slice %arg6[%dma_wait3A_494, %dma_wait3A_497] : memref<26x128xi32, #tpu.memory_space<vmem>> -> memref<1x128xi32, #tpu.memory_space<vmem>>
    %dma_wait3A_499 = tpu.memref_squeeze %dma_wait3A_498 : memref<1x128xi32, #tpu.memory_space<vmem>> -> memref<128xi32, #tpu.memory_space<vmem>>
    %dma_wait3A_500 = arith.constant 0 : i32
    %dma_wait3A_501 = tpu.memref_slice %arg2[%dma_wait3A_500] : memref<2600000xf32, #tpu.memory_space<hbm>> -> memref<2600000xf32, #tpu.memory_space<hbm>>
    tpu.wait_indirect_dma semaphore(%arg8 : memref<!tpu.dma_semaphore, #tpu.memory_space<semaphore_mem>>) src(%dma_wait3A_501 : memref<2600000xf32, #tpu.memory_space<hbm>>) dst(%dma_wait3A_496 : memref<128xf32, #tpu.memory_space<vmem>>)
    %dma_wait3A_502 = arith.constant 14 : i32
    %dma_wait3A_503 = arith.constant 1792 : i32
    %dma_wait3A_504 = tpu.memref_slice %arg7[%dma_wait3A_503] : memref<3328xf32, #tpu.memory_space<vmem>> -> memref<128xf32, #tpu.memory_space<vmem>>
    %dma_wait3A_505 = arith.constant 0 : i32
    %dma_wait3A_506 = tpu.memref_slice %arg6[%dma_wait3A_502, %dma_wait3A_505] : memref<26x128xi32, #tpu.memory_space<vmem>> -> memref<1x128xi32, #tpu.memory_space<vmem>>
    %dma_wait3A_507 = tpu.memref_squeeze %dma_wait3A_506 : memref<1x128xi32, #tpu.memory_space<vmem>> -> memref<128xi32, #tpu.memory_space<vmem>>
    %dma_wait3A_508 = arith.constant 0 : i32
    %dma_wait3A_509 = tpu.memref_slice %arg2[%dma_wait3A_508] : memref<2600000xf32, #tpu.memory_space<hbm>> -> memref<2600000xf32, #tpu.memory_space<hbm>>
    tpu.wait_indirect_dma semaphore(%arg8 : memref<!tpu.dma_semaphore, #tpu.memory_space<semaphore_mem>>) src(%dma_wait3A_509 : memref<2600000xf32, #tpu.memory_space<hbm>>) dst(%dma_wait3A_504 : memref<128xf32, #tpu.memory_space<vmem>>)
    %dma_wait3A_510 = arith.constant 15 : i32
    %dma_wait3A_511 = arith.constant 1920 : i32
    %dma_wait3A_512 = tpu.memref_slice %arg7[%dma_wait3A_511] : memref<3328xf32, #tpu.memory_space<vmem>> -> memref<128xf32, #tpu.memory_space<vmem>>
    %dma_wait3A_513 = arith.constant 0 : i32
    %dma_wait3A_514 = tpu.memref_slice %arg6[%dma_wait3A_510, %dma_wait3A_513] : memref<26x128xi32, #tpu.memory_space<vmem>> -> memref<1x128xi32, #tpu.memory_space<vmem>>
    %dma_wait3A_515 = tpu.memref_squeeze %dma_wait3A_514 : memref<1x128xi32, #tpu.memory_space<vmem>> -> memref<128xi32, #tpu.memory_space<vmem>>
    %dma_wait3A_516 = arith.constant 0 : i32
    %dma_wait3A_517 = tpu.memref_slice %arg2[%dma_wait3A_516] : memref<2600000xf32, #tpu.memory_space<hbm>> -> memref<2600000xf32, #tpu.memory_space<hbm>>
    tpu.wait_indirect_dma semaphore(%arg8 : memref<!tpu.dma_semaphore, #tpu.memory_space<semaphore_mem>>) src(%dma_wait3A_517 : memref<2600000xf32, #tpu.memory_space<hbm>>) dst(%dma_wait3A_512 : memref<128xf32, #tpu.memory_space<vmem>>)
    %dma_wait3A_518 = arith.constant 16 : i32
    %dma_wait3A_519 = arith.constant 2048 : i32
    %dma_wait3A_520 = tpu.memref_slice %arg7[%dma_wait3A_519] : memref<3328xf32, #tpu.memory_space<vmem>> -> memref<128xf32, #tpu.memory_space<vmem>>
    %dma_wait3A_521 = arith.constant 0 : i32
    %dma_wait3A_522 = tpu.memref_slice %arg6[%dma_wait3A_518, %dma_wait3A_521] : memref<26x128xi32, #tpu.memory_space<vmem>> -> memref<1x128xi32, #tpu.memory_space<vmem>>
    %dma_wait3A_523 = tpu.memref_squeeze %dma_wait3A_522 : memref<1x128xi32, #tpu.memory_space<vmem>> -> memref<128xi32, #tpu.memory_space<vmem>>
    %dma_wait3A_524 = arith.constant 0 : i32
    %dma_wait3A_525 = tpu.memref_slice %arg2[%dma_wait3A_524] : memref<2600000xf32, #tpu.memory_space<hbm>> -> memref<2600000xf32, #tpu.memory_space<hbm>>
    tpu.wait_indirect_dma semaphore(%arg8 : memref<!tpu.dma_semaphore, #tpu.memory_space<semaphore_mem>>) src(%dma_wait3A_525 : memref<2600000xf32, #tpu.memory_space<hbm>>) dst(%dma_wait3A_520 : memref<128xf32, #tpu.memory_space<vmem>>)
    %dma_wait3A_526 = arith.constant 17 : i32
    %dma_wait3A_527 = arith.constant 2176 : i32
    %dma_wait3A_528 = tpu.memref_slice %arg7[%dma_wait3A_527] : memref<3328xf32, #tpu.memory_space<vmem>> -> memref<128xf32, #tpu.memory_space<vmem>>
    %dma_wait3A_529 = arith.constant 0 : i32
    %dma_wait3A_530 = tpu.memref_slice %arg6[%dma_wait3A_526, %dma_wait3A_529] : memref<26x128xi32, #tpu.memory_space<vmem>> -> memref<1x128xi32, #tpu.memory_space<vmem>>
    %dma_wait3A_531 = tpu.memref_squeeze %dma_wait3A_530 : memref<1x128xi32, #tpu.memory_space<vmem>> -> memref<128xi32, #tpu.memory_space<vmem>>
    %dma_wait3A_532 = arith.constant 0 : i32
    %dma_wait3A_533 = tpu.memref_slice %arg2[%dma_wait3A_532] : memref<2600000xf32, #tpu.memory_space<hbm>> -> memref<2600000xf32, #tpu.memory_space<hbm>>
    tpu.wait_indirect_dma semaphore(%arg8 : memref<!tpu.dma_semaphore, #tpu.memory_space<semaphore_mem>>) src(%dma_wait3A_533 : memref<2600000xf32, #tpu.memory_space<hbm>>) dst(%dma_wait3A_528 : memref<128xf32, #tpu.memory_space<vmem>>)
    %dma_wait3A_534 = arith.constant 18 : i32
    %dma_wait3A_535 = arith.constant 2304 : i32
    %dma_wait3A_536 = tpu.memref_slice %arg7[%dma_wait3A_535] : memref<3328xf32, #tpu.memory_space<vmem>> -> memref<128xf32, #tpu.memory_space<vmem>>
    %dma_wait3A_537 = arith.constant 0 : i32
    %dma_wait3A_538 = tpu.memref_slice %arg6[%dma_wait3A_534, %dma_wait3A_537] : memref<26x128xi32, #tpu.memory_space<vmem>> -> memref<1x128xi32, #tpu.memory_space<vmem>>
    %dma_wait3A_539 = tpu.memref_squeeze %dma_wait3A_538 : memref<1x128xi32, #tpu.memory_space<vmem>> -> memref<128xi32, #tpu.memory_space<vmem>>
    %dma_wait3A_540 = arith.constant 0 : i32
    %dma_wait3A_541 = tpu.memref_slice %arg2[%dma_wait3A_540] : memref<2600000xf32, #tpu.memory_space<hbm>> -> memref<2600000xf32, #tpu.memory_space<hbm>>
    tpu.wait_indirect_dma semaphore(%arg8 : memref<!tpu.dma_semaphore, #tpu.memory_space<semaphore_mem>>) src(%dma_wait3A_541 : memref<2600000xf32, #tpu.memory_space<hbm>>) dst(%dma_wait3A_536 : memref<128xf32, #tpu.memory_space<vmem>>)
    %dma_wait3A_542 = arith.constant 19 : i32
    %dma_wait3A_543 = arith.constant 2432 : i32
    %dma_wait3A_544 = tpu.memref_slice %arg7[%dma_wait3A_543] : memref<3328xf32, #tpu.memory_space<vmem>> -> memref<128xf32, #tpu.memory_space<vmem>>
    %dma_wait3A_545 = arith.constant 0 : i32
    %dma_wait3A_546 = tpu.memref_slice %arg6[%dma_wait3A_542, %dma_wait3A_545] : memref<26x128xi32, #tpu.memory_space<vmem>> -> memref<1x128xi32, #tpu.memory_space<vmem>>
    %dma_wait3A_547 = tpu.memref_squeeze %dma_wait3A_546 : memref<1x128xi32, #tpu.memory_space<vmem>> -> memref<128xi32, #tpu.memory_space<vmem>>
    %dma_wait3A_548 = arith.constant 0 : i32
    %dma_wait3A_549 = tpu.memref_slice %arg2[%dma_wait3A_548] : memref<2600000xf32, #tpu.memory_space<hbm>> -> memref<2600000xf32, #tpu.memory_space<hbm>>
    tpu.wait_indirect_dma semaphore(%arg8 : memref<!tpu.dma_semaphore, #tpu.memory_space<semaphore_mem>>) src(%dma_wait3A_549 : memref<2600000xf32, #tpu.memory_space<hbm>>) dst(%dma_wait3A_544 : memref<128xf32, #tpu.memory_space<vmem>>)
    %dma_wait3A_550 = arith.constant 20 : i32
    %dma_wait3A_551 = arith.constant 2560 : i32
    %dma_wait3A_552 = tpu.memref_slice %arg7[%dma_wait3A_551] : memref<3328xf32, #tpu.memory_space<vmem>> -> memref<128xf32, #tpu.memory_space<vmem>>
    %dma_wait3A_553 = arith.constant 0 : i32
    %dma_wait3A_554 = tpu.memref_slice %arg6[%dma_wait3A_550, %dma_wait3A_553] : memref<26x128xi32, #tpu.memory_space<vmem>> -> memref<1x128xi32, #tpu.memory_space<vmem>>
    %dma_wait3A_555 = tpu.memref_squeeze %dma_wait3A_554 : memref<1x128xi32, #tpu.memory_space<vmem>> -> memref<128xi32, #tpu.memory_space<vmem>>
    %dma_wait3A_556 = arith.constant 0 : i32
    %dma_wait3A_557 = tpu.memref_slice %arg2[%dma_wait3A_556] : memref<2600000xf32, #tpu.memory_space<hbm>> -> memref<2600000xf32, #tpu.memory_space<hbm>>
    tpu.wait_indirect_dma semaphore(%arg8 : memref<!tpu.dma_semaphore, #tpu.memory_space<semaphore_mem>>) src(%dma_wait3A_557 : memref<2600000xf32, #tpu.memory_space<hbm>>) dst(%dma_wait3A_552 : memref<128xf32, #tpu.memory_space<vmem>>)
    %dma_wait3A_558 = arith.constant 21 : i32
    %dma_wait3A_559 = arith.constant 2688 : i32
    %dma_wait3A_560 = tpu.memref_slice %arg7[%dma_wait3A_559] : memref<3328xf32, #tpu.memory_space<vmem>> -> memref<128xf32, #tpu.memory_space<vmem>>
    %dma_wait3A_561 = arith.constant 0 : i32
    %dma_wait3A_562 = tpu.memref_slice %arg6[%dma_wait3A_558, %dma_wait3A_561] : memref<26x128xi32, #tpu.memory_space<vmem>> -> memref<1x128xi32, #tpu.memory_space<vmem>>
    %dma_wait3A_563 = tpu.memref_squeeze %dma_wait3A_562 : memref<1x128xi32, #tpu.memory_space<vmem>> -> memref<128xi32, #tpu.memory_space<vmem>>
    %dma_wait3A_564 = arith.constant 0 : i32
    %dma_wait3A_565 = tpu.memref_slice %arg2[%dma_wait3A_564] : memref<2600000xf32, #tpu.memory_space<hbm>> -> memref<2600000xf32, #tpu.memory_space<hbm>>
    tpu.wait_indirect_dma semaphore(%arg8 : memref<!tpu.dma_semaphore, #tpu.memory_space<semaphore_mem>>) src(%dma_wait3A_565 : memref<2600000xf32, #tpu.memory_space<hbm>>) dst(%dma_wait3A_560 : memref<128xf32, #tpu.memory_space<vmem>>)
    %dma_wait3A_566 = arith.constant 22 : i32
    %dma_wait3A_567 = arith.constant 2816 : i32
    %dma_wait3A_568 = tpu.memref_slice %arg7[%dma_wait3A_567] : memref<3328xf32, #tpu.memory_space<vmem>> -> memref<128xf32, #tpu.memory_space<vmem>>
    %dma_wait3A_569 = arith.constant 0 : i32
    %dma_wait3A_570 = tpu.memref_slice %arg6[%dma_wait3A_566, %dma_wait3A_569] : memref<26x128xi32, #tpu.memory_space<vmem>> -> memref<1x128xi32, #tpu.memory_space<vmem>>
    %dma_wait3A_571 = tpu.memref_squeeze %dma_wait3A_570 : memref<1x128xi32, #tpu.memory_space<vmem>> -> memref<128xi32, #tpu.memory_space<vmem>>
    %dma_wait3A_572 = arith.constant 0 : i32
    %dma_wait3A_573 = tpu.memref_slice %arg2[%dma_wait3A_572] : memref<2600000xf32, #tpu.memory_space<hbm>> -> memref<2600000xf32, #tpu.memory_space<hbm>>
    tpu.wait_indirect_dma semaphore(%arg8 : memref<!tpu.dma_semaphore, #tpu.memory_space<semaphore_mem>>) src(%dma_wait3A_573 : memref<2600000xf32, #tpu.memory_space<hbm>>) dst(%dma_wait3A_568 : memref<128xf32, #tpu.memory_space<vmem>>)
    %dma_wait3A_574 = arith.constant 23 : i32
    %dma_wait3A_575 = arith.constant 2944 : i32
    %dma_wait3A_576 = tpu.memref_slice %arg7[%dma_wait3A_575] : memref<3328xf32, #tpu.memory_space<vmem>> -> memref<128xf32, #tpu.memory_space<vmem>>
    %dma_wait3A_577 = arith.constant 0 : i32
    %dma_wait3A_578 = tpu.memref_slice %arg6[%dma_wait3A_574, %dma_wait3A_577] : memref<26x128xi32, #tpu.memory_space<vmem>> -> memref<1x128xi32, #tpu.memory_space<vmem>>
    %dma_wait3A_579 = tpu.memref_squeeze %dma_wait3A_578 : memref<1x128xi32, #tpu.memory_space<vmem>> -> memref<128xi32, #tpu.memory_space<vmem>>
    %dma_wait3A_580 = arith.constant 0 : i32
    %dma_wait3A_581 = tpu.memref_slice %arg2[%dma_wait3A_580] : memref<2600000xf32, #tpu.memory_space<hbm>> -> memref<2600000xf32, #tpu.memory_space<hbm>>
    tpu.wait_indirect_dma semaphore(%arg8 : memref<!tpu.dma_semaphore, #tpu.memory_space<semaphore_mem>>) src(%dma_wait3A_581 : memref<2600000xf32, #tpu.memory_space<hbm>>) dst(%dma_wait3A_576 : memref<128xf32, #tpu.memory_space<vmem>>)
    %dma_wait3A_582 = arith.constant 24 : i32
    %dma_wait3A_583 = arith.constant 3072 : i32
    %dma_wait3A_584 = tpu.memref_slice %arg7[%dma_wait3A_583] : memref<3328xf32, #tpu.memory_space<vmem>> -> memref<128xf32, #tpu.memory_space<vmem>>
    %dma_wait3A_585 = arith.constant 0 : i32
    %dma_wait3A_586 = tpu.memref_slice %arg6[%dma_wait3A_582, %dma_wait3A_585] : memref<26x128xi32, #tpu.memory_space<vmem>> -> memref<1x128xi32, #tpu.memory_space<vmem>>
    %dma_wait3A_587 = tpu.memref_squeeze %dma_wait3A_586 : memref<1x128xi32, #tpu.memory_space<vmem>> -> memref<128xi32, #tpu.memory_space<vmem>>
    %dma_wait3A_588 = arith.constant 0 : i32
    %dma_wait3A_589 = tpu.memref_slice %arg2[%dma_wait3A_588] : memref<2600000xf32, #tpu.memory_space<hbm>> -> memref<2600000xf32, #tpu.memory_space<hbm>>
    tpu.wait_indirect_dma semaphore(%arg8 : memref<!tpu.dma_semaphore, #tpu.memory_space<semaphore_mem>>) src(%dma_wait3A_589 : memref<2600000xf32, #tpu.memory_space<hbm>>) dst(%dma_wait3A_584 : memref<128xf32, #tpu.memory_space<vmem>>)
    %dma_wait3A_590 = arith.constant 25 : i32
    %dma_wait3A_591 = arith.constant 3200 : i32
    %dma_wait3A_592 = tpu.memref_slice %arg7[%dma_wait3A_591] : memref<3328xf32, #tpu.memory_space<vmem>> -> memref<128xf32, #tpu.memory_space<vmem>>
    %dma_wait3A_593 = arith.constant 0 : i32
    %dma_wait3A_594 = tpu.memref_slice %arg6[%dma_wait3A_590, %dma_wait3A_593] : memref<26x128xi32, #tpu.memory_space<vmem>> -> memref<1x128xi32, #tpu.memory_space<vmem>>
    %dma_wait3A_595 = tpu.memref_squeeze %dma_wait3A_594 : memref<1x128xi32, #tpu.memory_space<vmem>> -> memref<128xi32, #tpu.memory_space<vmem>>
    %dma_wait3A_596 = arith.constant 0 : i32
    %dma_wait3A_597 = tpu.memref_slice %arg2[%dma_wait3A_596] : memref<2600000xf32, #tpu.memory_space<hbm>> -> memref<2600000xf32, #tpu.memory_space<hbm>>
    tpu.wait_indirect_dma semaphore(%arg8 : memref<!tpu.dma_semaphore, #tpu.memory_space<semaphore_mem>>) src(%dma_wait3A_597 : memref<2600000xf32, #tpu.memory_space<hbm>>) dst(%dma_wait3A_592 : memref<128xf32, #tpu.memory_space<vmem>>)
    "tpu.region"() ({
      %run_scoped3A = tpu.sem_alloc : memref<!tpu.dma_semaphore, #tpu.memory_space<semaphore_mem>>
      %dma_start3A_598 = tpu.memref_slice %arg4[%mul3A_2] : memref<106496xf32, #tpu.memory_space<hbm>> -> memref<3328xf32, #tpu.memory_space<hbm>>
      %dma_start3A_599 = tpu.memref_slice %arg4[%mul3A_2] : memref<106496xf32, #tpu.memory_space<hbm>> -> memref<3328xf32, #tpu.memory_space<hbm>>
      tpu.enqueue_dma source(%arg7 : memref<3328xf32, #tpu.memory_space<vmem>>) target(%dma_start3A_599 : memref<3328xf32, #tpu.memory_space<hbm>>) target_semaphore(%run_scoped3A : memref<!tpu.dma_semaphore, #tpu.memory_space<semaphore_mem>>)
      %dma_wait3A_600 = tpu.memref_slice %arg4[%mul3A_2] : memref<106496xf32, #tpu.memory_space<hbm>> -> memref<3328xf32, #tpu.memory_space<hbm>>
      %dma_wait3A_601 = tpu.memref_slice %arg4[%mul3A_2] : memref<106496xf32, #tpu.memory_space<hbm>> -> memref<3328xf32, #tpu.memory_space<hbm>>
      tpu.wait_dma2 semaphore(%run_scoped3A : memref<!tpu.dma_semaphore, #tpu.memory_space<semaphore_mem>>) src(%arg7 : memref<3328xf32, #tpu.memory_space<vmem>>) dst(%dma_wait3A_601 : memref<3328xf32, #tpu.memory_space<hbm>>)
      tpu.yield
    }) : () -> ()
    return
  }
}

</mosaic_0001>

<sc_bundles>
// kernel: kernel.3.cloned.1.call-start
scs
__scs_entry_jumppad:
0x0: {  	(pc) =	sbr.rel $0x88, $3  }
0x1: {  	(tag) =	ssettag $0x0;
	lr =	simm.s32 $0x1  }
0x2: {  	[smem:$0x3F9F] =	sst lr;
	_ =	strace $0xD0000000  }
0x3: {  	_ = 	snop  }
0x4: {  	_ = 	snop  }
0x5: {  	_ = 	snop  }
0x6: {  	_ = 	snop  }
0x7: {  	_ = 	snop  }
__scs_overlays_trampoline_lowered:
0x8: {  	[smem:$0x3FAE] =	sst s0  }
0x9: {  	[smem:$0x3FAF] =	sst s1  }
0xa: {  	[smem:$0x3FB0] =	sst s2  }
0xb: {  	[smem:$0x3FB1] =	sst s3  }
0xc: {  	[smem:$0x3FB2] =	sst s4  }
0xd: {  	[smem:$0x3FB3] =	sst s5  }
0xe: {  	[smem:$0x3FB4] =	sst s6  }
0xf: {  	[smem:$0x3FB5] =	sst s7  }
0x10: {  	[smem:$0x3FB6] =	sst s8  }
0x11: {  	[smem:$0x3FB7] =	sst s9;
	s0 =	simm.s32 @!p0 $0x0  }
0x12: {  	s1 =	sld [smem:$0x3F9D];
	s0 =	simm.s32 @p0 $0x1  }
0x13: {  	[smem:$0x3FB8] =	sst s0;
	s0 =	simm.s32 @!p1 $0x0  }
0x14: {  	s2 =	sld [smem:$0x3F9C];
	s0 =	simm.s32 @p1 $0x1  }
0x15: {  	[smem:$0x3FB9] =	sst s0;
	s0 =	simm.s32 @!p2 $0x0  }
0x16: {  	s3 =	sld [smem:$0x3FDB];
	s0 =	simm.s32 @p2 $0x1  }
0x17: {  	s4 =	simm.s32 $0x1BF5;
	[smem:$0x3FBB] =	sst s0  }
0x18: {  	s0 =	sld [smem:$0x3F9E];
	_ =	swait.ge [sflag:s4], $0x0  }
0x19: {  	s7 =	sld [smem:$0x3F9F]  }
0x1a: {  	s8 =	sadd.s32 $0xFFFFE003, lr  }
0x1b: {  	s9 =	sadd.s32 $0xFFFFFEF7, lr;
	s5 =	simm.s32 $0xFFFFFFFF;
	p2 =	slt.u32 s8, $0xFFFFF086  }
0x1c: {  	p1 =	slt.u32 s9, $0xF7A;
	s5 =	simm.s32 @!p2 $0x0  }
0x1d: {  	s5 =	simm.s32 @p1 $0x1;
	p0 =	seq.s32 s7, s2  }
0x1e: {  	s7 =	smul.u32 @!p0 $0xF7A, s2;
	p2 =	seq.s32 @!p0 s5, $0x0  }
0x1f: {  	s9 =	smul.u32 $0xF7A, s1;
	s8 =	simm.s32 @!p0 $0x1BF5;
	p2 =	por !p2, p0  }
0x20: {  	[sflag:s8] =	ssyncset.s32 @!p0 $0xFFFFF086;
	s6 =	sadd.s32 @!p0 s3, s7;
	s7 =	simm.s32 @!p0 $0x108  }
0x21: {  	s3 =	sadd.s32 s3, s9;
	s6 =	sadd.s32 @!p0 $0x88, s6;
	s7 =	simm.s32 @p2 $0x1082  }
0x22: {  	[simem:s7], [sflag:s8] =	dma.local @!p0 [hbm:s6], $0xF7A  }
0x23: {  	s9 =	sor.u32 $0xD0000000, s2;
	s6 =	simm.s32 $0x108;
	_ =	swait.ge @!p0 [sflag:s8], $0x0  }
0x24: {  	s3 =	sadd.s32 $0x88, s3;
	s6 =	simm.s32 @!p1 $0x1082;
	[sflag:s4] =	ssyncset.s32 $0xFFFFF086  }
0x25: {  	[simem:s6], [sflag:s4] =	dma.local [hbm:s3], $0xF7A  }
0x26: {  	[smem:$0x3F9F] =	sst s1;
	(tag) =	ssettag s2;
	_ =	strace s9  }
0x27: {  	s1 =	sld [smem:$0x3FAF]  }
0x28: {  	s2 =	sld [smem:$0x3FB0]  }
0x29: {  	s4 =	sld [smem:$0x3FB2]  }
0x2a: {  	p0 =	seq.s32 s5, $0x0;
	s5 =	sld [smem:$0x3FB3]  }
0x2b: {  	s6 =	sld [smem:$0x3FB4]  }
0x2c: {  	s7 =	sld [smem:$0x3FB5]  }
0x2d: {  	s3 =	simm.s32 $0x108;
	s8 =	sld [smem:$0x3FB6]  }
0x2e: {  	s3 =	simm.s32 @!p0 $0x1082;
	s9 =	sld [smem:$0x3FB7]  }
0x2f: {  	lr =	sadd.s32 s0, s3;
	s0 =	sld [smem:$0x3FAE]  }
0x30: {  	s3 =	sld [smem:$0x3FB1]  }
0x31: {  	[smem:$0x3FBA] =	sst s10  }
0x32: {  	s10 =	sld [smem:$0x3FB8];
	_ =	sdelay $0x3  }
0x33: {  	p0 =	seq.s32 s10, $0x1;
	s10 =	sld [smem:$0x3FBA];
	_ =	sdelay $0x3  }
0x34: {  	[smem:$0x3FBA] =	sst s10  }
0x35: {  	s10 =	sld [smem:$0x3FB9];
	_ =	sdelay $0x3  }
0x36: {  	p1 =	seq.s32 s10, $0x1;
	s10 =	sld [smem:$0x3FBA];
	_ =	sdelay $0x3  }
0x37: {  	[smem:$0x3FBA] =	sst s10  }
0x38: {  	s10 =	sld [smem:$0x3FBB]  }
0x39: {  	_ = 	snop;
	(pc) =	sbr.ind lr, $3  }
0x3a: {  	_ = 	snop  }
0x3b: {  	_ = 	snop  }
0x3c: {  	p2 =	seq.s32 s10, $0x1;
	s10 =	sld [smem:$0x3FBA]  }
0x3d: {  	_ =	shalt  }
0x3e: {  	_ =	shalt  }
0x3f: {  	_ =	shalt  }
0x40: {  	_ =	shalt  }
0x41: {  	_ =	shalt  }
0x42: {  	_ =	shalt  }
0x43: {  	_ =	shalt  }
0x44: {  	_ =	shalt  }
0x45: {  	_ =	shalt  }
0x46: {  	_ =	shalt  }
0x47: {  	_ =	shalt  }
0x48: {  	_ =	shalt  }
0x49: {  	_ =	shalt  }
0x4a: {  	_ =	shalt  }
0x4b: {  	_ =	shalt  }
0x4c: {  	_ =	shalt  }
0x4d: {  	_ =	shalt  }
0x4e: {  	_ =	shalt  }
0x4f: {  	_ =	shalt  }
0x50: {  	_ =	shalt  }
0x51: {  	_ =	shalt  }
0x52: {  	_ =	shalt  }
0x53: {  	_ =	shalt  }
0x54: {  	_ =	shalt  }
0x55: {  	_ =	shalt  }
0x56: {  	_ =	shalt  }
0x57: {  	_ =	shalt  }
0x58: {  	_ =	shalt  }
0x59: {  	_ =	shalt  }
0x5a: {  	_ =	shalt  }
0x5b: {  	_ =	shalt  }
0x5c: {  	_ =	shalt  }
0x5d: {  	_ =	shalt  }
0x5e: {  	_ =	shalt  }
0x5f: {  	_ =	shalt  }
0x60: {  	_ =	shalt  }
0x61: {  	_ =	shalt  }
0x62: {  	_ =	shalt  }
0x63: {  	_ =	shalt  }
0x64: {  	_ =	shalt  }
0x65: {  	_ =	shalt  }
0x66: {  	_ =	shalt  }
0x67: {  	_ =	shalt  }
0x68: {  	_ =	shalt  }
0x69: {  	_ =	shalt  }
0x6a: {  	_ =	shalt  }
0x6b: {  	_ =	shalt  }
0x6c: {  	_ =	shalt  }
0x6d: {  	_ =	shalt  }
0x6e: {  	_ =	shalt  }
0x6f: {  	_ =	shalt  }
0x70: {  	_ =	shalt  }
0x71: {  	_ =	shalt  }
0x72: {  	_ =	shalt  }
0x73: {  	_ =	shalt  }
0x74: {  	_ =	shalt  }
0x75: {  	_ =	shalt  }
0x76: {  	_ =	shalt  }
0x77: {  	_ =	shalt  }
0x78: {  	_ =	shalt  }
0x79: {  	_ =	shalt  }
0x7a: {  	_ =	shalt  }
0x7b: {  	_ =	shalt  }
0x7c: {  	_ =	shalt  }
0x7d: {  	_ =	shalt  }
0x7e: {  	_ =	shalt  }
0x7f: {  	_ =	shalt  }
0x80: {  	_ =	shalt  }
0x81: {  	_ =	shalt  }
0x82: {  	_ =	shalt  }
0x83: {  	_ =	shalt  }
0x84: {  	_ =	shalt  }
0x85: {  	_ =	shalt  }
0x86: {  	_ =	shalt  }
0x87: {  	_ =	shalt  }
.Lfunc_end0:
.L_simem_size_0:
called_computation_lowered:
.L_overlay_start_0:
0x88: {  	s2 =	sld [smem:$0x3FD9]  }
0x89: {  	s3 =	sld [smem:$0x3FFE];
	_ =	sdelay $0x1  }
0x8a: {  	s1 =	srdreg.scid  }
0x8b: {  	s0 =	sand.u32 $0x1, s1  }
0x8c: {  	s17 =	sshll.u32 s0, $0xA;
	s2 =	sadd.s32 s3, s2  }
0x8d: {  	s2 =	sadd.s32 s2, s17  }
0x8e: {  	[smem:$0x3FC6] =	sst s2  }
0x8f: {  	_ = 	snop  }
0x90: {  	s2 =	sld [smem:$0x3FD0];
	(tm) =	ssettm $0x1  }
0x91: {  	s18 =	sld [smem:$0x3FFB];
	_ =	sdelay $0x3  }
0x92: {  	_ =	strace s18  }
0x93: {  	s3 =	sld [smem:$0x3FFC];
	_ =	sdelay $0x3  }
0x94: {  	_ =	strace s3  }
0x95: {  	s3 =	sld [smem:$0x3FFD];
	_ =	sdelay $0x3  }
0x96: {  	_ =	strace s3  }
0x97: {  	_ =	strace $0x8FFFFFFF  }
0x98: {  	s19 =	sld [smem:$0x3FDB];
	_ =	sdelay $0x1  }
0x99: {  	s4 =	simm.s32 $_scs_section_size  }
0x9a: {  	s5 =	simm.s32 $_size__tile_overlayer_lowered;
	s6 =	simm.s32 $_tile_overlayer_lowered  }
0x9b: {  	s22 =	simm.s32 $0x1BFF;
	s21 =	sshll.u32 s6, $0x1;
	s3 =	sadd.s32 s4, s19  }
0x9c: {  	s7 =	simm.s32 $0x0;
	s20 =	sshll.u32 s5, $0x1;
	s5 =	sadd.s32 s21, s3  }
0x9d: {  	[timem:s7], [sflag:s22] =	dma.local [hbm:s5], s20  }
0x9e: {  	_ =	swait.ge [sflag:s22], s20  }
0x9f: {  	s4 =	ssub.s32 $0x0, s20;
	[sflag:s22] =	ssyncset.done $0x0  }
0xa0: {  	[sflag:s22] =	ssyncadd.s32 s4;
	_ =	sdelay $0x1  }
0xa1: {  	s23 =	simm.s32 $0x1B8B  }
0xa2: {  	_ =	swait.ge [sflag:s23], $0x1  }
0xa3: {  	[sflag:s23] =	ssyncset.done $0x0  }
0xa4: {  	s25 =	simm.s32 $0x1B8E;
	s24 =	sld [smem:$0x3FFE];
	[sflag:s23] =	ssyncadd.s32 $0xFFFFFFFF  }
0xa5: {  	s26 =	simm.s32 $execute0_lowered;
	[smem:$0x3FD2] =	sst s25  }
0xa6: {  	s5 =	sshll.u32 s26, $0x1;
	_ =	strace $0x80000046;
	[dreg:$0x1] =	wrdreg $0xFFFFFFFF  }
0xa7: {  	s28 =	simm.s32 $_size_execute0_lowered;
	s3 =	sadd.s32 s3, s5;
	[dreg:$0x0] =	wrdreg $0x0  }
0xa8: {  	s5 =	sshll.u32 s28, $0x1;
	[dreg:$0x2] =	wrdreg s3  }
0xa9: {  	[dreg:$0x3] =	wrdreg s5  }
0xaa: {  	[dreg:$0x4] =	wrdreg $0xC0  }
0xab: {  	_ =	task [dreg:s7], $0x5FFFF  }
0xac: {  	[dreg:$0x1] =	wrdreg $0xFFFFFFFF  }
0xad: {  	[dreg:$0x0] =	wrdreg $0x60  }
0xae: {  	[dreg:$0x2] =	wrdreg s24  }
0xaf: {  	[dreg:$0x3] =	wrdreg s2  }
0xb0: {  	[dreg:$0x4] =	wrdreg $0x9  }
0xb1: {  	_ =	task.clear_ibuf [dreg:s7], $0x5FFFF;
	_ =	strace $0x90000046  }
0xb2: {  	s29 =	simm.s32 $0x9;
	_ =	strace $0x80000048  }
0xb3: {  	_ =	swait.ge [sflag:s29], $0x1  }
0xb4: {  	[sflag:s29] =	ssyncadd.s32 $0xFFFFFFFF  }
0xb5: {  	_ =	strace $0x90000048  }
0xb6: {  	_ =	sfence  }
0xb7: {  	s30 =	sld [smem:$0x0];
	_ =	sdelay $0x2  }
0xb8: {  	s31 =	sshll.u32 s1, $0xD;
	s1 =	sshrl.u32 s1, $0x2  }
0xb9: {  	s3 =	sand.u32 $0x4000, s31;
	s1 =	sadd.s32 s1, s30  }
0xba: {  	s0 =	sor.u32 s3, s0;
	s1 =	sshll.u32 s1, $0x11  }
0xbb: {  	s0 =	sor.u32 s1, s0  }
0xbc: {  	s0 =	sadd.s32 $0x8F2B, s0  }
0xbd: {  	[sflag:s0] =	ssyncadd.remote.s32 $0x1  }
0xbe: {  	_ =	sfence.sel $0xFFFF  }
0xbf: {  	[dreg:$0x0] =	wrdreg $0xFFFFFFFF;
	(pc) =	sbr.abs _section_cstart, $3  }
0xc0: {  	[dreg:$0x1] =	wrdreg $0xFFFFFFFF  }
0xc1: {  	_ =	task.clear_ibuf [dreg:s7], $0x2FFFF;
	_ =	strace $0x9FFFFFFF  }
0xc2: {  	(tm) =	ssettm $0x7FFFFFFF  }
0xc3: {  	_ =	shalt  }
tec
execute0_lowered:
.L_overlay_start_1:
0x0: {  	(tag) =	ssettag $0x1  }
0x1: {  	s0 =	rddreg [dreg:$0x0]  }
0x2: {  	s1 =	rddreg [dreg:$0x1]  }
0x3: {  	s2 =	srdreg.scid;
	s6 =	stileid.u32;
	s8 =	simm.s32 $0x0  }
0x4: {  	s2 =	sand.u32 $0x1, s2;
	s3 =	sshll.u32 s6, $0x1;
	[smem:$0x7FF] =	sst s8  }
0x5: {  	s6 =	smul.u32 $0x1A00, s6;
	s3 =	sor.u32 s2, s3;
	s5 =	ssub.s32 $0x2, s2  }
0x6: {  	_ =	strace $0x80000047;
	s2 =	smul.u32 $0xD00, s2;
	s7 =	sshrl.u32 s5, $0x1  }
0x7: {  	s4 =	smul.u32 $0xD00, s3;
	s3 =	sadd.s32 $0x200, s0;
	s5 =	ssub.s32 s5, s7  }
0x8: {  	s7 =	sadd.s32 s2, s6;
	s2 =	simm.s32 $0x2;
	s6 =	simm.s32 $0x1  }
0x9: {  	s4 =	sshrl.u32 s4, $0x3;
	s22 =	smax.u32 s5, $0x1;
	s23 =	sor.u32 $0x80, s7  }
0xa: {  	s24 =	sadd.s32 $0x100, s7;
	s25 =	sadd.s32 $0x180, s7;
	s26 =	sadd.s32 $0x200, s7  }
0xb: {  	s12 =	sadd.s32 $0x280, s7;
	s13 =	sadd.s32 $0x300, s7;
	s14 =	sadd.s32 $0x380, s7  }
0xc: {  	s15 =	sadd.s32 $0x400, s7;
	s16 =	sadd.s32 $0x480, s7;
	s17 =	sadd.s32 $0x500, s7  }
0xd: {  	s18 =	sadd.s32 $0x580, s7;
	s19 =	sadd.s32 $0x600, s7;
	s20 =	sadd.s32 $0x680, s7  }
0xe: {  	s21 =	sadd.s32 $0x700, s7;
	s28 =	sadd.s32 $0xA00, s7;
	[dreg:$0x5] =	wrdreg s22  }
0xf: {  	s29 =	sadd.s32 $0xA80, s7;
	s30 =	sadd.s32 $0xB00, s7;
	[dreg:$0x6] =	wrdreg s23  }
0x10: {  	s31 =	sadd.s32 $0xB80, s7;
	s5 =	simm.s32 $0x0;
	[dreg:$0x7] =	wrdreg s24  }
0x11: {  	s0 =	sadd.s32 s4, s0;
	s1 =	sadd.s32 s1, s4;
	[dreg:$0x8] =	wrdreg s25  }
0x12: {  	[dreg:$0x9] =	wrdreg s26;
	s22 =	sadd.s32 $0x780, s7;
	s23 =	sadd.s32 $0x800, s7  }
0x13: {  	s24 =	sadd.s32 $0x880, s7;
	s25 =	sadd.s32 $0x900, s7;
	s26 =	sadd.s32 $0x980, s7  }
0x14: {  	s4 =	simm.s32 $0x80;
	[dreg:$0x3] =	wrdreg s1;
	s0 =	sadd.s32 $0x4F800, s0  }
0x15: {  	v0 =	vlaneseq.u32;
	s1 =	sadd.s32 $0xC80, s7;
	[dreg:$0x4] =	wrdreg s0;
	s0 =	sadd.s32 $0xC00, s7  }
.LBB2_1:
0x16: {  	s9 =	rddreg [dreg:$0x3]  }
0x17: {  	[tilespmem:s8], [sflag:$0x2] =	stream.linear.gather [hbm4b:s9+s8], $0xD00, $0x38;
	[tilespmem:$0x2A00] =	vst v63  }
0x18: {  	v1 =	vor.u32 s7, v0;
	_ =	swait.ge [sflag:s2], $0xD00  }
0x19: {  	v2 =	vmulhi.u32 $0x4EC4EC4F, v1;
	[sflag:s2] =	ssyncset.done $0x0  }
0x1a: {  	s8 =	simm.s32 $0x0;
	[sflag:s2] =	ssyncadd.s32 $0xFFFFF300  }
0x1b: {  	v3 =	vshrl.u32 v2, $0x3;
	v2 =	vld [tilespmem:s8+$0x0];
	_ =	sdelay $0x2  }
0x1c: {  	v3 =	vmul.u32 $0x1A, v3  }
0x1d: {  	s10 =	sadd.s32 $0x10, s7;
	s9 =	simm.s32 $0x40  }
.LBB2_2:
0x1e: {  	s11 =	sshra.s32 s9, $0x2;
	p0 =	sne.s32 s9, $0x1C0;
	s9 =	sadd.s32 $0x40, s9;
	v4 =	vtrunc.f32 v2;
	v3 =	vsub.s32 v1, v3;
	v1 =	vor.u32 s10, v0  }
.Ltmp0:
0x1f: {  	v2 =	vld [tilespmem:s11+$0x0];
	v5 =	vmulhi.u32 $0x4EC4EC4F, v1;
	v4 =	vcvt.f32.s32 v4;
	v3 =	vmul.u32 $0x186A0, v3;
	(pc) =	sbr.rel @p0 .LBB2_2-.Ltmp0, $4  }
0x20: {  	_ = 	snop  }
0x21: {  	v5 =	vshrl.u32 v5, $0x3;
	v4 =	vadd.s32 v4, v3  }
0x22: {  	v3 =	vmul.u32 $0x1A, v5;
	[tilespmem:s8+$0xD00] =	vst v4;
	s8 =	smov.u32 s11  }
0x23: {  	s10 =	sadd.s32 $0x10, s10  }
0x24: {  	v2 =	vtrunc.f32 v2;
	v1 =	vsub.s32 v1, v3  }
0x25: {  	v2 =	vcvt.f32.s32 v2;
	v1 =	vmul.u32 $0x186A0, v1  }
0x26: {  	s10 =	rddreg [dreg:$0x6]  }
0x27: {  	v2 =	vadd.s32 v2, v1;
	v1 =	vor.u32 s10, v0  }
0x28: {  	s11 =	simm.s32 $0xD00;
	s9 =	simm.s32 $0x1D00;
	[tilespmem:s8+$0xD00] =	vst v2;
	v2 =	vmulhi.u32 $0x4EC4EC4F, v1;
	s8 =	simm.s32 $0x0  }
0x29: {  	[tilespmem:s9], [sflag:$0x1] =	stream.indirect.gather [hbm4b:s3+s4], $0x1, s11, s4, $0xb8;
	[tilespmem:$0x2A00] =	vst v63  }
0x2a: {  	v3 =	vshrl.u32 v2, $0x3;
	v2 =	vld [tilespmem:s8+$0x80];
	_ =	sdelay $0x2  }
0x2b: {  	v3 =	vmul.u32 $0x1A, v3  }
0x2c: {  	s10 =	sadd.s32 $0x10, s10;
	s9 =	simm.s32 $0x40  }
.LBB2_4:
0x2d: {  	s11 =	sshra.s32 s9, $0x2;
	p0 =	sne.s32 s9, $0x1C0;
	s9 =	sadd.s32 $0x40, s9;
	v4 =	vtrunc.f32 v2;
	v3 =	vsub.s32 v1, v3;
	v1 =	vor.u32 s10, v0  }
.Ltmp1:
0x2e: {  	v2 =	vld [tilespmem:s11+$0x80];
	v5 =	vmulhi.u32 $0x4EC4EC4F, v1;
	v4 =	vcvt.f32.s32 v4;
	v3 =	vmul.u32 $0x186A0, v3;
	(pc) =	sbr.rel @p0 .LBB2_4-.Ltmp1, $4  }
0x2f: {  	_ = 	snop  }
0x30: {  	v5 =	vshrl.u32 v5, $0x3;
	v4 =	vadd.s32 v4, v3  }
0x31: {  	v3 =	vmul.u32 $0x1A, v5;
	[tilespmem:s8+$0xD80] =	vst v4;
	s8 =	smov.u32 s11  }
0x32: {  	s10 =	sadd.s32 $0x10, s10  }
0x33: {  	v2 =	vtrunc.f32 v2;
	v1 =	vsub.s32 v1, v3  }
0x34: {  	v2 =	vcvt.f32.s32 v2;
	v1 =	vmul.u32 $0x186A0, v1  }
0x35: {  	s10 =	rddreg [dreg:$0x7]  }
0x36: {  	v2 =	vadd.s32 v2, v1;
	v1 =	vor.u32 s10, v0  }
0x37: {  	s11 =	simm.s32 $0xD80;
	s9 =	simm.s32 $0x1D80;
	[tilespmem:s8+$0xD80] =	vst v2;
	v2 =	vmulhi.u32 $0x4EC4EC4F, v1;
	s8 =	simm.s32 $0x0  }
0x38: {  	[tilespmem:s9], [sflag:$0x1] =	stream.indirect.gather [hbm4b:s3+s4], $0x1, s11, s4, $0xb8;
	[tilespmem:$0x2A00] =	vst v63  }
0x39: {  	v3 =	vshrl.u32 v2, $0x3;
	v2 =	vld [tilespmem:s8+$0x100];
	_ =	sdelay $0x2  }
0x3a: {  	v3 =	vmul.u32 $0x1A, v3  }
0x3b: {  	s10 =	sadd.s32 $0x10, s10;
	s9 =	simm.s32 $0x40  }
.LBB2_6:
0x3c: {  	s11 =	sshra.s32 s9, $0x2;
	p0 =	sne.s32 s9, $0x1C0;
	s9 =	sadd.s32 $0x40, s9;
	v4 =	vtrunc.f32 v2;
	v3 =	vsub.s32 v1, v3;
	v1 =	vor.u32 s10, v0  }
.Ltmp2:
0x3d: {  	v2 =	vld [tilespmem:s11+$0x100];
	v5 =	vmulhi.u32 $0x4EC4EC4F, v1;
	v4 =	vcvt.f32.s32 v4;
	v3 =	vmul.u32 $0x186A0, v3;
	(pc) =	sbr.rel @p0 .LBB2_6-.Ltmp2, $4  }
0x3e: {  	_ = 	snop  }
0x3f: {  	v5 =	vshrl.u32 v5, $0x3;
	v4 =	vadd.s32 v4, v3  }
0x40: {  	v3 =	vmul.u32 $0x1A, v5;
	[tilespmem:s8+$0xE00] =	vst v4;
	s8 =	smov.u32 s11  }
0x41: {  	s10 =	sadd.s32 $0x10, s10  }
0x42: {  	v2 =	vtrunc.f32 v2;
	v1 =	vsub.s32 v1, v3  }
0x43: {  	v2 =	vcvt.f32.s32 v2;
	v1 =	vmul.u32 $0x186A0, v1  }
0x44: {  	s10 =	rddreg [dreg:$0x8]  }
0x45: {  	v2 =	vadd.s32 v2, v1;
	v1 =	vor.u32 s10, v0  }
0x46: {  	s11 =	simm.s32 $0xE00;
	s9 =	simm.s32 $0x1E00;
	[tilespmem:s8+$0xE00] =	vst v2;
	v2 =	vmulhi.u32 $0x4EC4EC4F, v1;
	s8 =	simm.s32 $0x0  }
0x47: {  	[tilespmem:s9], [sflag:$0x1] =	stream.indirect.gather [hbm4b:s3+s4], $0x1, s11, s4, $0xb8;
	[tilespmem:$0x2A00] =	vst v63  }
0x48: {  	v3 =	vshrl.u32 v2, $0x3;
	v2 =	vld [tilespmem:s8+$0x180];
	_ =	sdelay $0x2  }
0x49: {  	v3 =	vmul.u32 $0x1A, v3  }
0x4a: {  	s10 =	sadd.s32 $0x10, s10;
	s9 =	simm.s32 $0x40  }
.LBB2_8:
0x4b: {  	s11 =	sshra.s32 s9, $0x2;
	p0 =	sne.s32 s9, $0x1C0;
	s9 =	sadd.s32 $0x40, s9;
	v4 =	vtrunc.f32 v2;
	v3 =	vsub.s32 v1, v3;
	v1 =	vor.u32 s10, v0  }
.Ltmp3:
0x4c: {  	v2 =	vld [tilespmem:s11+$0x180];
	v5 =	vmulhi.u32 $0x4EC4EC4F, v1;
	v4 =	vcvt.f32.s32 v4;
	v3 =	vmul.u32 $0x186A0, v3;
	(pc) =	sbr.rel @p0 .LBB2_8-.Ltmp3, $4  }
0x4d: {  	_ = 	snop  }
0x4e: {  	v5 =	vshrl.u32 v5, $0x3;
	v4 =	vadd.s32 v4, v3  }
0x4f: {  	v3 =	vmul.u32 $0x1A, v5;
	[tilespmem:s8+$0xE80] =	vst v4;
	s8 =	smov.u32 s11  }
0x50: {  	s10 =	sadd.s32 $0x10, s10  }
0x51: {  	v2 =	vtrunc.f32 v2;
	v1 =	vsub.s32 v1, v3  }
0x52: {  	v2 =	vcvt.f32.s32 v2;
	v1 =	vmul.u32 $0x186A0, v1  }
0x53: {  	s10 =	rddreg [dreg:$0x9]  }
0x54: {  	v2 =	vadd.s32 v2, v1;
	v1 =	vor.u32 s10, v0  }
0x55: {  	s11 =	simm.s32 $0xE80;
	s9 =	simm.s32 $0x1E80;
	[tilespmem:s8+$0xE80] =	vst v2;
	v2 =	vmulhi.u32 $0x4EC4EC4F, v1;
	s8 =	simm.s32 $0x0  }
0x56: {  	[tilespmem:s9], [sflag:$0x1] =	stream.indirect.gather [hbm4b:s3+s4], $0x1, s11, s4, $0xb8;
	[tilespmem:$0x2A00] =	vst v63  }
0x57: {  	v3 =	vshrl.u32 v2, $0x3;
	v2 =	vld [tilespmem:s8+$0x200];
	_ =	sdelay $0x2  }
0x58: {  	v3 =	vmul.u32 $0x1A, v3  }
0x59: {  	s10 =	sadd.s32 $0x10, s10;
	s9 =	simm.s32 $0x40  }
.LBB2_10:
0x5a: {  	s11 =	sshra.s32 s9, $0x2;
	p0 =	sne.s32 s9, $0x1C0;
	s9 =	sadd.s32 $0x40, s9;
	v4 =	vtrunc.f32 v2;
	v3 =	vsub.s32 v1, v3;
	v1 =	vor.u32 s10, v0  }
.Ltmp4:
0x5b: {  	v2 =	vld [tilespmem:s11+$0x200];
	v5 =	vmulhi.u32 $0x4EC4EC4F, v1;
	v4 =	vcvt.f32.s32 v4;
	v3 =	vmul.u32 $0x186A0, v3;
	(pc) =	sbr.rel @p0 .LBB2_10-.Ltmp4, $4  }
0x5c: {  	_ = 	snop  }
0x5d: {  	v5 =	vshrl.u32 v5, $0x3;
	v4 =	vadd.s32 v4, v3  }
0x5e: {  	v3 =	vmul.u32 $0x1A, v5;
	[tilespmem:s8+$0xF00] =	vst v4;
	s8 =	smov.u32 s11  }
0x5f: {  	s10 =	sadd.s32 $0x10, s10  }
0x60: {  	v2 =	vtrunc.f32 v2;
	v1 =	vsub.s32 v1, v3  }
0x61: {  	v2 =	vcvt.f32.s32 v2;
	v1 =	vmul.u32 $0x186A0, v1;
	_ =	sdelay $0x1  }
0x62: {  	v2 =	vadd.s32 v2, v1;
	v1 =	vor.u32 s12, v0  }
0x63: {  	s11 =	simm.s32 $0xF00;
	s9 =	simm.s32 $0x1F00;
	[tilespmem:s8+$0xF00] =	vst v2;
	v2 =	vmulhi.u32 $0x4EC4EC4F, v1;
	s8 =	simm.s32 $0x0  }
0x64: {  	[tilespmem:s9], [sflag:$0x1] =	stream.indirect.gather [hbm4b:s3+s4], $0x1, s11, s4, $0xb8;
	[tilespmem:$0x2A00] =	vst v63  }
0x65: {  	v3 =	vshrl.u32 v2, $0x3;
	v2 =	vld [tilespmem:s8+$0x280];
	_ =	sdelay $0x2  }
0x66: {  	v3 =	vmul.u32 $0x1A, v3  }
0x67: {  	s10 =	sadd.s32 $0x10, s12;
	s9 =	simm.s32 $0x40  }
.LBB2_12:
0x68: {  	s11 =	sshra.s32 s9, $0x2;
	p0 =	sne.s32 s9, $0x1C0;
	s9 =	sadd.s32 $0x40, s9;
	v4 =	vtrunc.f32 v2;
	v3 =	vsub.s32 v1, v3;
	v1 =	vor.u32 s10, v0  }
.Ltmp5:
0x69: {  	v2 =	vld [tilespmem:s11+$0x280];
	v5 =	vmulhi.u32 $0x4EC4EC4F, v1;
	v4 =	vcvt.f32.s32 v4;
	v3 =	vmul.u32 $0x186A0, v3;
	(pc) =	sbr.rel @p0 .LBB2_12-.Ltmp5, $4  }
0x6a: {  	_ = 	snop  }
0x6b: {  	v5 =	vshrl.u32 v5, $0x3;
	v4 =	vadd.s32 v4, v3  }
0x6c: {  	v3 =	vmul.u32 $0x1A, v5;
	[tilespmem:s8+$0xF80] =	vst v4;
	s8 =	smov.u32 s11  }
0x6d: {  	s10 =	sadd.s32 $0x10, s10  }
0x6e: {  	v2 =	vtrunc.f32 v2;
	v1 =	vsub.s32 v1, v3  }
0x6f: {  	v2 =	vcvt.f32.s32 v2;
	v1 =	vmul.u32 $0x186A0, v1;
	_ =	sdelay $0x1  }
0x70: {  	v2 =	vadd.s32 v2, v1;
	v1 =	vor.u32 s13, v0  }
0x71: {  	s11 =	simm.s32 $0xF80;
	s9 =	simm.s32 $0x1F80;
	[tilespmem:s8+$0xF80] =	vst v2;
	v2 =	vmulhi.u32 $0x4EC4EC4F, v1;
	s8 =	simm.s32 $0x0  }
0x72: {  	[tilespmem:s9], [sflag:$0x1] =	stream.indirect.gather [hbm4b:s3+s4], $0x1, s11, s4, $0xb8;
	[tilespmem:$0x2A00] =	vst v63  }
0x73: {  	v3 =	vshrl.u32 v2, $0x3;
	v2 =	vld [tilespmem:s8+$0x300];
	_ =	sdelay $0x2  }
0x74: {  	v3 =	vmul.u32 $0x1A, v3  }
0x75: {  	s10 =	sadd.s32 $0x10, s13;
	s9 =	simm.s32 $0x40  }
.LBB2_14:
0x76: {  	s11 =	sshra.s32 s9, $0x2;
	p0 =	sne.s32 s9, $0x1C0;
	s9 =	sadd.s32 $0x40, s9;
	v4 =	vtrunc.f32 v2;
	v3 =	vsub.s32 v1, v3;
	v1 =	vor.u32 s10, v0  }
.Ltmp6:
0x77: {  	v2 =	vld [tilespmem:s11+$0x300];
	v5 =	vmulhi.u32 $0x4EC4EC4F, v1;
	v4 =	vcvt.f32.s32 v4;
	v3 =	vmul.u32 $0x186A0, v3;
	(pc) =	sbr.rel @p0 .LBB2_14-.Ltmp6, $4  }
0x78: {  	_ = 	snop  }
0x79: {  	v5 =	vshrl.u32 v5, $0x3;
	v4 =	vadd.s32 v4, v3  }
0x7a: {  	v3 =	vmul.u32 $0x1A, v5;
	[tilespmem:s8+$0x1000] =	vst v4;
	s8 =	smov.u32 s11  }
0x7b: {  	s10 =	sadd.s32 $0x10, s10  }
0x7c: {  	v2 =	vtrunc.f32 v2;
	v1 =	vsub.s32 v1, v3  }
0x7d: {  	v2 =	vcvt.f32.s32 v2;
	v1 =	vmul.u32 $0x186A0, v1;
	_ =	sdelay $0x1  }
0x7e: {  	v2 =	vadd.s32 v2, v1;
	v1 =	vor.u32 s14, v0  }
0x7f: {  	s11 =	simm.s32 $0x1000;
	s9 =	simm.s32 $0x2000;
	[tilespmem:s8+$0x1000] =	vst v2;
	v2 =	vmulhi.u32 $0x4EC4EC4F, v1;
	s8 =	simm.s32 $0x0  }
0x80: {  	[tilespmem:s9], [sflag:$0x1] =	stream.indirect.gather [hbm4b:s3+s4], $0x1, s11, s4, $0xb8;
	[tilespmem:$0x2A00] =	vst v63  }
0x81: {  	v3 =	vshrl.u32 v2, $0x3;
	v2 =	vld [tilespmem:s8+$0x380];
	_ =	sdelay $0x2  }
0x82: {  	v3 =	vmul.u32 $0x1A, v3  }
0x83: {  	s10 =	sadd.s32 $0x10, s14;
	s9 =	simm.s32 $0x40  }
.LBB2_16:
0x84: {  	s11 =	sshra.s32 s9, $0x2;
	p0 =	sne.s32 s9, $0x1C0;
	s9 =	sadd.s32 $0x40, s9;
	v4 =	vtrunc.f32 v2;
	v3 =	vsub.s32 v1, v3;
	v1 =	vor.u32 s10, v0  }
.Ltmp7:
0x85: {  	v2 =	vld [tilespmem:s11+$0x380];
	v5 =	vmulhi.u32 $0x4EC4EC4F, v1;
	v4 =	vcvt.f32.s32 v4;
	v3 =	vmul.u32 $0x186A0, v3;
	(pc) =	sbr.rel @p0 .LBB2_16-.Ltmp7, $4  }
0x86: {  	_ = 	snop  }
0x87: {  	v5 =	vshrl.u32 v5, $0x3;
	v4 =	vadd.s32 v4, v3  }
0x88: {  	v3 =	vmul.u32 $0x1A, v5;
	[tilespmem:s8+$0x1080] =	vst v4;
	s8 =	smov.u32 s11  }
0x89: {  	s10 =	sadd.s32 $0x10, s10  }
0x8a: {  	v2 =	vtrunc.f32 v2;
	v1 =	vsub.s32 v1, v3  }
0x8b: {  	v2 =	vcvt.f32.s32 v2;
	v1 =	vmul.u32 $0x186A0, v1;
	_ =	sdelay $0x1  }
0x8c: {  	v2 =	vadd.s32 v2, v1;
	v1 =	vor.u32 s15, v0  }
0x8d: {  	s11 =	simm.s32 $0x1080;
	s9 =	simm.s32 $0x2080;
	[tilespmem:s8+$0x1080] =	vst v2;
	v2 =	vmulhi.u32 $0x4EC4EC4F, v1;
	s8 =	simm.s32 $0x0  }
0x8e: {  	[tilespmem:s9], [sflag:$0x1] =	stream.indirect.gather [hbm4b:s3+s4], $0x1, s11, s4, $0xb8;
	[tilespmem:$0x2A00] =	vst v63  }
0x8f: {  	v3 =	vshrl.u32 v2, $0x3;
	v2 =	vld [tilespmem:s8+$0x400];
	_ =	sdelay $0x2  }
0x90: {  	v3 =	vmul.u32 $0x1A, v3  }
0x91: {  	s10 =	sadd.s32 $0x10, s15;
	s9 =	simm.s32 $0x40  }
.LBB2_18:
0x92: {  	s11 =	sshra.s32 s9, $0x2;
	p0 =	sne.s32 s9, $0x1C0;
	s9 =	sadd.s32 $0x40, s9;
	v4 =	vtrunc.f32 v2;
	v3 =	vsub.s32 v1, v3;
	v1 =	vor.u32 s10, v0  }
.Ltmp8:
0x93: {  	v2 =	vld [tilespmem:s11+$0x400];
	v5 =	vmulhi.u32 $0x4EC4EC4F, v1;
	v4 =	vcvt.f32.s32 v4;
	v3 =	vmul.u32 $0x186A0, v3;
	(pc) =	sbr.rel @p0 .LBB2_18-.Ltmp8, $4  }
0x94: {  	_ = 	snop  }
0x95: {  	v5 =	vshrl.u32 v5, $0x3;
	v4 =	vadd.s32 v4, v3  }
0x96: {  	v3 =	vmul.u32 $0x1A, v5;
	[tilespmem:s8+$0x1100] =	vst v4;
	s8 =	smov.u32 s11  }
0x97: {  	s10 =	sadd.s32 $0x10, s10  }
0x98: {  	v2 =	vtrunc.f32 v2;
	v1 =	vsub.s32 v1, v3  }
0x99: {  	v2 =	vcvt.f32.s32 v2;
	v1 =	vmul.u32 $0x186A0, v1;
	_ =	sdelay $0x1  }
0x9a: {  	v2 =	vadd.s32 v2, v1;
	v1 =	vor.u32 s16, v0  }
0x9b: {  	s11 =	simm.s32 $0x1100;
	s9 =	simm.s32 $0x2100;
	[tilespmem:s8+$0x1100] =	vst v2;
	v2 =	vmulhi.u32 $0x4EC4EC4F, v1;
	s8 =	simm.s32 $0x0  }
0x9c: {  	[tilespmem:s9], [sflag:$0x1] =	stream.indirect.gather [hbm4b:s3+s4], $0x1, s11, s4, $0xb8;
	[tilespmem:$0x2A00] =	vst v63  }
0x9d: {  	v3 =	vshrl.u32 v2, $0x3;
	v2 =	vld [tilespmem:s8+$0x480];
	_ =	sdelay $0x2  }
0x9e: {  	v3 =	vmul.u32 $0x1A, v3  }
0x9f: {  	s10 =	sadd.s32 $0x10, s16;
	s9 =	simm.s32 $0x40  }
.LBB2_20:
0xa0: {  	s11 =	sshra.s32 s9, $0x2;
	p0 =	sne.s32 s9, $0x1C0;
	s9 =	sadd.s32 $0x40, s9;
	v4 =	vtrunc.f32 v2;
	v3 =	vsub.s32 v1, v3;
	v1 =	vor.u32 s10, v0  }
.Ltmp9:
0xa1: {  	v2 =	vld [tilespmem:s11+$0x480];
	v5 =	vmulhi.u32 $0x4EC4EC4F, v1;
	v4 =	vcvt.f32.s32 v4;
	v3 =	vmul.u32 $0x186A0, v3;
	(pc) =	sbr.rel @p0 .LBB2_20-.Ltmp9, $4  }
0xa2: {  	_ = 	snop  }
0xa3: {  	v5 =	vshrl.u32 v5, $0x3;
	v4 =	vadd.s32 v4, v3  }
0xa4: {  	v3 =	vmul.u32 $0x1A, v5;
	[tilespmem:s8+$0x1180] =	vst v4;
	s8 =	smov.u32 s11  }
0xa5: {  	s10 =	sadd.s32 $0x10, s10  }
0xa6: {  	v2 =	vtrunc.f32 v2;
	v1 =	vsub.s32 v1, v3  }
0xa7: {  	v2 =	vcvt.f32.s32 v2;
	v1 =	vmul.u32 $0x186A0, v1;
	_ =	sdelay $0x1  }
0xa8: {  	v2 =	vadd.s32 v2, v1;
	v1 =	vor.u32 s17, v0  }
0xa9: {  	s11 =	simm.s32 $0x1180;
	s9 =	simm.s32 $0x2180;
	[tilespmem:s8+$0x1180] =	vst v2;
	v2 =	vmulhi.u32 $0x4EC4EC4F, v1;
	s8 =	simm.s32 $0x0  }
0xaa: {  	[tilespmem:s9], [sflag:$0x1] =	stream.indirect.gather [hbm4b:s3+s4], $0x1, s11, s4, $0xb8;
	[tilespmem:$0x2A00] =	vst v63  }
0xab: {  	v3 =	vshrl.u32 v2, $0x3;
	v2 =	vld [tilespmem:s8+$0x500];
	_ =	sdelay $0x2  }
0xac: {  	v3 =	vmul.u32 $0x1A, v3  }
0xad: {  	s10 =	sadd.s32 $0x10, s17;
	s9 =	simm.s32 $0x40  }
.LBB2_22:
0xae: {  	s11 =	sshra.s32 s9, $0x2;
	p0 =	sne.s32 s9, $0x1C0;
	s9 =	sadd.s32 $0x40, s9;
	v4 =	vtrunc.f32 v2;
	v3 =	vsub.s32 v1, v3;
	v1 =	vor.u32 s10, v0  }
.Ltmp10:
0xaf: {  	v2 =	vld [tilespmem:s11+$0x500];
	v5 =	vmulhi.u32 $0x4EC4EC4F, v1;
	v4 =	vcvt.f32.s32 v4;
	v3 =	vmul.u32 $0x186A0, v3;
	(pc) =	sbr.rel @p0 .LBB2_22-.Ltmp10, $4  }
0xb0: {  	_ = 	snop  }
0xb1: {  	v5 =	vshrl.u32 v5, $0x3;
	v4 =	vadd.s32 v4, v3  }
0xb2: {  	v3 =	vmul.u32 $0x1A, v5;
	[tilespmem:s8+$0x1200] =	vst v4;
	s8 =	smov.u32 s11  }
0xb3: {  	s10 =	sadd.s32 $0x10, s10  }
0xb4: {  	v2 =	vtrunc.f32 v2;
	v1 =	vsub.s32 v1, v3  }
0xb5: {  	v2 =	vcvt.f32.s32 v2;
	v1 =	vmul.u32 $0x186A0, v1;
	_ =	sdelay $0x1  }
0xb6: {  	v2 =	vadd.s32 v2, v1;
	v1 =	vor.u32 s18, v0  }
0xb7: {  	s11 =	simm.s32 $0x1200;
	s9 =	simm.s32 $0x2200;
	[tilespmem:s8+$0x1200] =	vst v2;
	v2 =	vmulhi.u32 $0x4EC4EC4F, v1;
	s8 =	simm.s32 $0x0  }
0xb8: {  	[tilespmem:s9], [sflag:$0x1] =	stream.indirect.gather [hbm4b:s3+s4], $0x1, s11, s4, $0xb8;
	[tilespmem:$0x2A00] =	vst v63  }
0xb9: {  	v3 =	vshrl.u32 v2, $0x3;
	v2 =	vld [tilespmem:s8+$0x580];
	_ =	sdelay $0x2  }
0xba: {  	v3 =	vmul.u32 $0x1A, v3  }
0xbb: {  	s10 =	sadd.s32 $0x10, s18;
	s9 =	simm.s32 $0x40  }
.LBB2_24:
0xbc: {  	s11 =	sshra.s32 s9, $0x2;
	p0 =	sne.s32 s9, $0x1C0;
	s9 =	sadd.s32 $0x40, s9;
	v4 =	vtrunc.f32 v2;
	v3 =	vsub.s32 v1, v3;
	v1 =	vor.u32 s10, v0  }
.Ltmp11:
0xbd: {  	v2 =	vld [tilespmem:s11+$0x580];
	v5 =	vmulhi.u32 $0x4EC4EC4F, v1;
	v4 =	vcvt.f32.s32 v4;
	v3 =	vmul.u32 $0x186A0, v3;
	(pc) =	sbr.rel @p0 .LBB2_24-.Ltmp11, $4  }
0xbe: {  	_ = 	snop  }
0xbf: {  	v5 =	vshrl.u32 v5, $0x3;
	v4 =	vadd.s32 v4, v3  }
0xc0: {  	v3 =	vmul.u32 $0x1A, v5;
	[tilespmem:s8+$0x1280] =	vst v4;
	s8 =	smov.u32 s11  }
0xc1: {  	s10 =	sadd.s32 $0x10, s10  }
0xc2: {  	v2 =	vtrunc.f32 v2;
	v1 =	vsub.s32 v1, v3  }
0xc3: {  	v2 =	vcvt.f32.s32 v2;
	v1 =	vmul.u32 $0x186A0, v1;
	_ =	sdelay $0x1  }
0xc4: {  	v2 =	vadd.s32 v2, v1;
	v1 =	vor.u32 s19, v0  }
0xc5: {  	s11 =	simm.s32 $0x1280;
	s9 =	simm.s32 $0x2280;
	[tilespmem:s8+$0x1280] =	vst v2;
	v2 =	vmulhi.u32 $0x4EC4EC4F, v1;
	s8 =	simm.s32 $0x0  }
0xc6: {  	[tilespmem:s9], [sflag:$0x1] =	stream.indirect.gather [hbm4b:s3+s4], $0x1, s11, s4, $0xb8;
	[tilespmem:$0x2A00] =	vst v63  }
0xc7: {  	v3 =	vshrl.u32 v2, $0x3;
	v2 =	vld [tilespmem:s8+$0x600];
	_ =	sdelay $0x2  }
0xc8: {  	v3 =	vmul.u32 $0x1A, v3  }
0xc9: {  	s10 =	sadd.s32 $0x10, s19;
	s9 =	simm.s32 $0x40  }
.LBB2_26:
0xca: {  	s11 =	sshra.s32 s9, $0x2;
	p0 =	sne.s32 s9, $0x1C0;
	s9 =	sadd.s32 $0x40, s9;
	v4 =	vtrunc.f32 v2;
	v3 =	vsub.s32 v1, v3;
	v1 =	vor.u32 s10, v0  }
.Ltmp12:
0xcb: {  	v2 =	vld [tilespmem:s11+$0x600];
	v5 =	vmulhi.u32 $0x4EC4EC4F, v1;
	v4 =	vcvt.f32.s32 v4;
	v3 =	vmul.u32 $0x186A0, v3;
	(pc) =	sbr.rel @p0 .LBB2_26-.Ltmp12, $4  }
0xcc: {  	_ = 	snop  }
0xcd: {  	v5 =	vshrl.u32 v5, $0x3;
	v4 =	vadd.s32 v4, v3  }
0xce: {  	v3 =	vmul.u32 $0x1A, v5;
	[tilespmem:s8+$0x1300] =	vst v4;
	s8 =	smov.u32 s11  }
0xcf: {  	s10 =	sadd.s32 $0x10, s10  }
0xd0: {  	v2 =	vtrunc.f32 v2;
	v1 =	vsub.s32 v1, v3  }
0xd1: {  	v2 =	vcvt.f32.s32 v2;
	v1 =	vmul.u32 $0x186A0, v1;
	_ =	sdelay $0x1  }
0xd2: {  	v2 =	vadd.s32 v2, v1;
	v1 =	vor.u32 s20, v0  }
0xd3: {  	s11 =	simm.s32 $0x1300;
	s9 =	simm.s32 $0x2300;
	[tilespmem:s8+$0x1300] =	vst v2;
	v2 =	vmulhi.u32 $0x4EC4EC4F, v1;
	s8 =	simm.s32 $0x0  }
0xd4: {  	[tilespmem:s9], [sflag:$0x1] =	stream.indirect.gather [hbm4b:s3+s4], $0x1, s11, s4, $0xb8;
	[tilespmem:$0x2A00] =	vst v63  }
0xd5: {  	v3 =	vshrl.u32 v2, $0x3;
	v2 =	vld [tilespmem:s8+$0x680];
	_ =	sdelay $0x2  }
0xd6: {  	v3 =	vmul.u32 $0x1A, v3  }
0xd7: {  	s10 =	sadd.s32 $0x10, s20;
	s9 =	simm.s32 $0x40  }
.LBB2_28:
0xd8: {  	s11 =	sshra.s32 s9, $0x2;
	p0 =	sne.s32 s9, $0x1C0;
	s9 =	sadd.s32 $0x40, s9;
	v4 =	vtrunc.f32 v2;
	v3 =	vsub.s32 v1, v3;
	v1 =	vor.u32 s10, v0  }
.Ltmp13:
0xd9: {  	v2 =	vld [tilespmem:s11+$0x680];
	v5 =	vmulhi.u32 $0x4EC4EC4F, v1;
	v4 =	vcvt.f32.s32 v4;
	v3 =	vmul.u32 $0x186A0, v3;
	(pc) =	sbr.rel @p0 .LBB2_28-.Ltmp13, $4  }
0xda: {  	_ = 	snop  }
0xdb: {  	v5 =	vshrl.u32 v5, $0x3;
	v4 =	vadd.s32 v4, v3  }
0xdc: {  	v3 =	vmul.u32 $0x1A, v5;
	[tilespmem:s8+$0x1380] =	vst v4;
	s8 =	smov.u32 s11  }
0xdd: {  	s10 =	sadd.s32 $0x10, s10  }
0xde: {  	v2 =	vtrunc.f32 v2;
	v1 =	vsub.s32 v1, v3  }
0xdf: {  	v2 =	vcvt.f32.s32 v2;
	v1 =	vmul.u32 $0x186A0, v1;
	_ =	sdelay $0x1  }
0xe0: {  	v2 =	vadd.s32 v2, v1;
	v1 =	vor.u32 s21, v0  }
0xe1: {  	s11 =	simm.s32 $0x1380;
	s9 =	simm.s32 $0x2380;
	[tilespmem:s8+$0x1380] =	vst v2;
	v2 =	vmulhi.u32 $0x4EC4EC4F, v1;
	s8 =	simm.s32 $0x0  }
0xe2: {  	[tilespmem:s9], [sflag:$0x1] =	stream.indirect.gather [hbm4b:s3+s4], $0x1, s11, s4, $0xb8;
	[tilespmem:$0x2A00] =	vst v63  }
0xe3: {  	v3 =	vshrl.u32 v2, $0x3;
	v2 =	vld [tilespmem:s8+$0x700];
	_ =	sdelay $0x2  }
0xe4: {  	v3 =	vmul.u32 $0x1A, v3  }
0xe5: {  	s10 =	sadd.s32 $0x10, s21;
	s9 =	simm.s32 $0x40  }
.LBB2_30:
0xe6: {  	s11 =	sshra.s32 s9, $0x2;
	p0 =	sne.s32 s9, $0x1C0;
	s9 =	sadd.s32 $0x40, s9;
	v4 =	vtrunc.f32 v2;
	v3 =	vsub.s32 v1, v3;
	v1 =	vor.u32 s10, v0  }
.Ltmp14:
0xe7: {  	v2 =	vld [tilespmem:s11+$0x700];
	v5 =	vmulhi.u32 $0x4EC4EC4F, v1;
	v4 =	vcvt.f32.s32 v4;
	v3 =	vmul.u32 $0x186A0, v3;
	(pc) =	sbr.rel @p0 .LBB2_30-.Ltmp14, $4  }
0xe8: {  	_ = 	snop  }
0xe9: {  	v5 =	vshrl.u32 v5, $0x3;
	v4 =	vadd.s32 v4, v3  }
0xea: {  	v3 =	vmul.u32 $0x1A, v5;
	[tilespmem:s8+$0x1400] =	vst v4;
	s8 =	smov.u32 s11  }
0xeb: {  	s10 =	sadd.s32 $0x10, s10  }
0xec: {  	v2 =	vtrunc.f32 v2;
	v1 =	vsub.s32 v1, v3  }
0xed: {  	v2 =	vcvt.f32.s32 v2;
	v1 =	vmul.u32 $0x186A0, v1;
	_ =	sdelay $0x1  }
0xee: {  	v2 =	vadd.s32 v2, v1;
	v1 =	vor.u32 s22, v0  }
0xef: {  	s11 =	simm.s32 $0x1400;
	s9 =	simm.s32 $0x2400;
	[tilespmem:s8+$0x1400] =	vst v2;
	v2 =	vmulhi.u32 $0x4EC4EC4F, v1;
	s8 =	simm.s32 $0x0  }
0xf0: {  	[tilespmem:s9], [sflag:$0x1] =	stream.indirect.gather [hbm4b:s3+s4], $0x1, s11, s4, $0xb8;
	[tilespmem:$0x2A00] =	vst v63  }
0xf1: {  	v3 =	vshrl.u32 v2, $0x3;
	v2 =	vld [tilespmem:s8+$0x780];
	_ =	sdelay $0x2  }
0xf2: {  	v3 =	vmul.u32 $0x1A, v3  }
0xf3: {  	s10 =	sadd.s32 $0x10, s22;
	s9 =	simm.s32 $0x40  }
.LBB2_32:
0xf4: {  	s11 =	sshra.s32 s9, $0x2;
	p0 =	sne.s32 s9, $0x1C0;
	s9 =	sadd.s32 $0x40, s9;
	v4 =	vtrunc.f32 v2;
	v3 =	vsub.s32 v1, v3;
	v1 =	vor.u32 s10, v0  }
.Ltmp15:
0xf5: {  	v2 =	vld [tilespmem:s11+$0x780];
	v5 =	vmulhi.u32 $0x4EC4EC4F, v1;
	v4 =	vcvt.f32.s32 v4;
	v3 =	vmul.u32 $0x186A0, v3;
	(pc) =	sbr.rel @p0 .LBB2_32-.Ltmp15, $4  }
0xf6: {  	_ = 	snop  }
0xf7: {  	v5 =	vshrl.u32 v5, $0x3;
	v4 =	vadd.s32 v4, v3  }
0xf8: {  	v3 =	vmul.u32 $0x1A, v5;
	[tilespmem:s8+$0x1480] =	vst v4;
	s8 =	smov.u32 s11  }
0xf9: {  	s10 =	sadd.s32 $0x10, s10  }
0xfa: {  	v2 =	vtrunc.f32 v2;
	v1 =	vsub.s32 v1, v3  }
0xfb: {  	v2 =	vcvt.f32.s32 v2;
	v1 =	vmul.u32 $0x186A0, v1;
	_ =	sdelay $0x1  }
0xfc: {  	v2 =	vadd.s32 v2, v1;
	v1 =	vor.u32 s23, v0  }
0xfd: {  	s11 =	simm.s32 $0x1480;
	s9 =	simm.s32 $0x2480;
	[tilespmem:s8+$0x1480] =	vst v2;
	v2 =	vmulhi.u32 $0x4EC4EC4F, v1;
	s8 =	simm.s32 $0x0  }
0xfe: {  	[tilespmem:s9], [sflag:$0x1] =	stream.indirect.gather [hbm4b:s3+s4], $0x1, s11, s4, $0xb8;
	[tilespmem:$0x2A00] =	vst v63  }
0xff: {  	v3 =	vshrl.u32 v2, $0x3;
	v2 =	vld [tilespmem:s8+$0x800];
	_ =	sdelay $0x2  }
0x100: {  	v3 =	vmul.u32 $0x1A, v3  }
0x101: {  	s10 =	sadd.s32 $0x10, s23;
	s9 =	simm.s32 $0x40  }
.LBB2_34:
0x102: {  	s11 =	sshra.s32 s9, $0x2;
	p0 =	sne.s32 s9, $0x1C0;
	s9 =	sadd.s32 $0x40, s9;
	v4 =	vtrunc.f32 v2;
	v3 =	vsub.s32 v1, v3;
	v1 =	vor.u32 s10, v0  }
.Ltmp16:
0x103: {  	v2 =	vld [tilespmem:s11+$0x800];
	v5 =	vmulhi.u32 $0x4EC4EC4F, v1;
	v4 =	vcvt.f32.s32 v4;
	v3 =	vmul.u32 $0x186A0, v3;
	(pc) =	sbr.rel @p0 .LBB2_34-.Ltmp16, $4  }
0x104: {  	_ = 	snop  }
0x105: {  	v5 =	vshrl.u32 v5, $0x3;
	v4 =	vadd.s32 v4, v3  }
0x106: {  	v3 =	vmul.u32 $0x1A, v5;
	[tilespmem:s8+$0x1500] =	vst v4;
	s8 =	smov.u32 s11  }
0x107: {  	s10 =	sadd.s32 $0x10, s10  }
0x108: {  	v2 =	vtrunc.f32 v2;
	v1 =	vsub.s32 v1, v3  }
0x109: {  	v2 =	vcvt.f32.s32 v2;
	v1 =	vmul.u32 $0x186A0, v1;
	_ =	sdelay $0x1  }
0x10a: {  	v2 =	vadd.s32 v2, v1;
	v1 =	vor.u32 s24, v0  }
0x10b: {  	s11 =	simm.s32 $0x1500;
	s9 =	simm.s32 $0x2500;
	[tilespmem:s8+$0x1500] =	vst v2;
	v2 =	vmulhi.u32 $0x4EC4EC4F, v1;
	s8 =	simm.s32 $0x0  }
0x10c: {  	[tilespmem:s9], [sflag:$0x1] =	stream.indirect.gather [hbm4b:s3+s4], $0x1, s11, s4, $0xb8;
	[tilespmem:$0x2A00] =	vst v63  }
0x10d: {  	v3 =	vshrl.u32 v2, $0x3;
	v2 =	vld [tilespmem:s8+$0x880];
	_ =	sdelay $0x2  }
0x10e: {  	v3 =	vmul.u32 $0x1A, v3  }
0x10f: {  	s10 =	sadd.s32 $0x10, s24;
	s9 =	simm.s32 $0x40  }
.LBB2_36:
0x110: {  	s11 =	sshra.s32 s9, $0x2;
	p0 =	sne.s32 s9, $0x1C0;
	s9 =	sadd.s32 $0x40, s9;
	v4 =	vtrunc.f32 v2;
	v3 =	vsub.s32 v1, v3;
	v1 =	vor.u32 s10, v0  }
.Ltmp17:
0x111: {  	v2 =	vld [tilespmem:s11+$0x880];
	v5 =	vmulhi.u32 $0x4EC4EC4F, v1;
	v4 =	vcvt.f32.s32 v4;
	v3 =	vmul.u32 $0x186A0, v3;
	(pc) =	sbr.rel @p0 .LBB2_36-.Ltmp17, $4  }
0x112: {  	_ = 	snop  }
0x113: {  	v5 =	vshrl.u32 v5, $0x3;
	v4 =	vadd.s32 v4, v3  }
0x114: {  	v3 =	vmul.u32 $0x1A, v5;
	[tilespmem:s8+$0x1580] =	vst v4;
	s8 =	smov.u32 s11  }
0x115: {  	s10 =	sadd.s32 $0x10, s10  }
0x116: {  	v2 =	vtrunc.f32 v2;
	v1 =	vsub.s32 v1, v3  }
0x117: {  	v2 =	vcvt.f32.s32 v2;
	v1 =	vmul.u32 $0x186A0, v1;
	_ =	sdelay $0x1  }
0x118: {  	v2 =	vadd.s32 v2, v1;
	v1 =	vor.u32 s25, v0  }
0x119: {  	s11 =	simm.s32 $0x1580;
	s9 =	simm.s32 $0x2580;
	[tilespmem:s8+$0x1580] =	vst v2;
	v2 =	vmulhi.u32 $0x4EC4EC4F, v1;
	s8 =	simm.s32 $0x0  }
0x11a: {  	[tilespmem:s9], [sflag:$0x1] =	stream.indirect.gather [hbm4b:s3+s4], $0x1, s11, s4, $0xb8;
	[tilespmem:$0x2A00] =	vst v63  }
0x11b: {  	v3 =	vshrl.u32 v2, $0x3;
	v2 =	vld [tilespmem:s8+$0x900];
	_ =	sdelay $0x2  }
0x11c: {  	v3 =	vmul.u32 $0x1A, v3  }
0x11d: {  	s10 =	sadd.s32 $0x10, s25;
	s9 =	simm.s32 $0x40  }
.LBB2_38:
0x11e: {  	s11 =	sshra.s32 s9, $0x2;
	p0 =	sne.s32 s9, $0x1C0;
	s9 =	sadd.s32 $0x40, s9;
	v4 =	vtrunc.f32 v2;
	v3 =	vsub.s32 v1, v3;
	v1 =	vor.u32 s10, v0  }
.Ltmp18:
0x11f: {  	v2 =	vld [tilespmem:s11+$0x900];
	v5 =	vmulhi.u32 $0x4EC4EC4F, v1;
	v4 =	vcvt.f32.s32 v4;
	v3 =	vmul.u32 $0x186A0, v3;
	(pc) =	sbr.rel @p0 .LBB2_38-.Ltmp18, $4  }
0x120: {  	_ = 	snop  }
0x121: {  	v5 =	vshrl.u32 v5, $0x3;
	v4 =	vadd.s32 v4, v3  }
0x122: {  	v3 =	vmul.u32 $0x1A, v5;
	[tilespmem:s8+$0x1600] =	vst v4;
	s8 =	smov.u32 s11  }
0x123: {  	s10 =	sadd.s32 $0x10, s10  }
0x124: {  	v2 =	vtrunc.f32 v2;
	v1 =	vsub.s32 v1, v3  }
0x125: {  	v2 =	vcvt.f32.s32 v2;
	v1 =	vmul.u32 $0x186A0, v1;
	_ =	sdelay $0x1  }
0x126: {  	v2 =	vadd.s32 v2, v1;
	v1 =	vor.u32 s26, v0  }
0x127: {  	s11 =	simm.s32 $0x1600;
	s9 =	simm.s32 $0x2600;
	[tilespmem:s8+$0x1600] =	vst v2;
	v2 =	vmulhi.u32 $0x4EC4EC4F, v1;
	s8 =	simm.s32 $0x0  }
0x128: {  	[tilespmem:s9], [sflag:$0x1] =	stream.indirect.gather [hbm4b:s3+s4], $0x1, s11, s4, $0xb8;
	[tilespmem:$0x2A00] =	vst v63  }
0x129: {  	v3 =	vshrl.u32 v2, $0x3;
	v2 =	vld [tilespmem:s8+$0x980];
	_ =	sdelay $0x2  }
0x12a: {  	v3 =	vmul.u32 $0x1A, v3  }
0x12b: {  	s10 =	sadd.s32 $0x10, s26;
	s9 =	simm.s32 $0x40  }
.LBB2_40:
0x12c: {  	s11 =	sshra.s32 s9, $0x2;
	p0 =	sne.s32 s9, $0x1C0;
	s9 =	sadd.s32 $0x40, s9;
	v4 =	vtrunc.f32 v2;
	v3 =	vsub.s32 v1, v3;
	v1 =	vor.u32 s10, v0  }
.Ltmp19:
0x12d: {  	v2 =	vld [tilespmem:s11+$0x980];
	v5 =	vmulhi.u32 $0x4EC4EC4F, v1;
	v4 =	vcvt.f32.s32 v4;
	v3 =	vmul.u32 $0x186A0, v3;
	(pc) =	sbr.rel @p0 .LBB2_40-.Ltmp19, $4  }
0x12e: {  	_ = 	snop  }
0x12f: {  	v5 =	vshrl.u32 v5, $0x3;
	v4 =	vadd.s32 v4, v3  }
0x130: {  	v3 =	vmul.u32 $0x1A, v5;
	[tilespmem:s8+$0x1680] =	vst v4;
	s8 =	smov.u32 s11  }
0x131: {  	s10 =	sadd.s32 $0x10, s10  }
0x132: {  	v2 =	vtrunc.f32 v2;
	v1 =	vsub.s32 v1, v3  }
0x133: {  	v2 =	vcvt.f32.s32 v2;
	v1 =	vmul.u32 $0x186A0, v1;
	_ =	sdelay $0x1  }
0x134: {  	v2 =	vadd.s32 v2, v1;
	v1 =	vor.u32 s28, v0  }
0x135: {  	s11 =	simm.s32 $0x1680;
	s9 =	simm.s32 $0x2680;
	[tilespmem:s8+$0x1680] =	vst v2;
	v2 =	vmulhi.u32 $0x4EC4EC4F, v1;
	s8 =	simm.s32 $0x0  }
0x136: {  	[tilespmem:s9], [sflag:$0x1] =	stream.indirect.gather [hbm4b:s3+s4], $0x1, s11, s4, $0xb8;
	[tilespmem:$0x2A00] =	vst v63  }
0x137: {  	v3 =	vshrl.u32 v2, $0x3;
	v2 =	vld [tilespmem:s8+$0xA00];
	_ =	sdelay $0x2  }
0x138: {  	v3 =	vmul.u32 $0x1A, v3  }
0x139: {  	s10 =	sadd.s32 $0x10, s28;
	s9 =	simm.s32 $0x40  }
.LBB2_42:
0x13a: {  	s11 =	sshra.s32 s9, $0x2;
	p0 =	sne.s32 s9, $0x1C0;
	s9 =	sadd.s32 $0x40, s9;
	v4 =	vtrunc.f32 v2;
	v3 =	vsub.s32 v1, v3;
	v1 =	vor.u32 s10, v0  }
.Ltmp20:
0x13b: {  	v2 =	vld [tilespmem:s11+$0xA00];
	v5 =	vmulhi.u32 $0x4EC4EC4F, v1;
	v4 =	vcvt.f32.s32 v4;
	v3 =	vmul.u32 $0x186A0, v3;
	(pc) =	sbr.rel @p0 .LBB2_42-.Ltmp20, $4  }
0x13c: {  	_ = 	snop  }
0x13d: {  	v5 =	vshrl.u32 v5, $0x3;
	v4 =	vadd.s32 v4, v3  }
0x13e: {  	v3 =	vmul.u32 $0x1A, v5;
	[tilespmem:s8+$0x1700] =	vst v4;
	s8 =	smov.u32 s11  }
0x13f: {  	s10 =	sadd.s32 $0x10, s10  }
0x140: {  	v2 =	vtrunc.f32 v2;
	v1 =	vsub.s32 v1, v3  }
0x141: {  	v2 =	vcvt.f32.s32 v2;
	v1 =	vmul.u32 $0x186A0, v1;
	_ =	sdelay $0x1  }
0x142: {  	v2 =	vadd.s32 v2, v1;
	v1 =	vor.u32 s29, v0  }
0x143: {  	s11 =	simm.s32 $0x1700;
	s9 =	simm.s32 $0x2700;
	[tilespmem:s8+$0x1700] =	vst v2;
	v2 =	vmulhi.u32 $0x4EC4EC4F, v1;
	s8 =	simm.s32 $0x0  }
0x144: {  	[tilespmem:s9], [sflag:$0x1] =	stream.indirect.gather [hbm4b:s3+s4], $0x1, s11, s4, $0xb8;
	[tilespmem:$0x2A00] =	vst v63  }
0x145: {  	v3 =	vshrl.u32 v2, $0x3;
	v2 =	vld [tilespmem:s8+$0xA80];
	_ =	sdelay $0x2  }
0x146: {  	v3 =	vmul.u32 $0x1A, v3  }
0x147: {  	s10 =	sadd.s32 $0x10, s29;
	s9 =	simm.s32 $0x40  }
.LBB2_44:
0x148: {  	s11 =	sshra.s32 s9, $0x2;
	p0 =	sne.s32 s9, $0x1C0;
	s9 =	sadd.s32 $0x40, s9;
	v4 =	vtrunc.f32 v2;
	v3 =	vsub.s32 v1, v3;
	v1 =	vor.u32 s10, v0  }
.Ltmp21:
0x149: {  	v2 =	vld [tilespmem:s11+$0xA80];
	v5 =	vmulhi.u32 $0x4EC4EC4F, v1;
	v4 =	vcvt.f32.s32 v4;
	v3 =	vmul.u32 $0x186A0, v3;
	(pc) =	sbr.rel @p0 .LBB2_44-.Ltmp21, $4  }
0x14a: {  	_ = 	snop  }
0x14b: {  	v5 =	vshrl.u32 v5, $0x3;
	v4 =	vadd.s32 v4, v3  }
0x14c: {  	v3 =	vmul.u32 $0x1A, v5;
	[tilespmem:s8+$0x1780] =	vst v4;
	s8 =	smov.u32 s11  }
0x14d: {  	s10 =	sadd.s32 $0x10, s10  }
0x14e: {  	v2 =	vtrunc.f32 v2;
	v1 =	vsub.s32 v1, v3  }
0x14f: {  	v2 =	vcvt.f32.s32 v2;
	v1 =	vmul.u32 $0x186A0, v1;
	_ =	sdelay $0x1  }
0x150: {  	v2 =	vadd.s32 v2, v1;
	v1 =	vor.u32 s30, v0  }
0x151: {  	s11 =	simm.s32 $0x1780;
	s9 =	simm.s32 $0x2780;
	[tilespmem:s8+$0x1780] =	vst v2;
	v2 =	vmulhi.u32 $0x4EC4EC4F, v1;
	s8 =	simm.s32 $0x0  }
0x152: {  	[tilespmem:s9], [sflag:$0x1] =	stream.indirect.gather [hbm4b:s3+s4], $0x1, s11, s4, $0xb8;
	[tilespmem:$0x2A00] =	vst v63  }
0x153: {  	v3 =	vshrl.u32 v2, $0x3;
	v2 =	vld [tilespmem:s8+$0xB00];
	_ =	sdelay $0x2  }
0x154: {  	v3 =	vmul.u32 $0x1A, v3  }
0x155: {  	s10 =	sadd.s32 $0x10, s30;
	s9 =	simm.s32 $0x40  }
.LBB2_46:
0x156: {  	s11 =	sshra.s32 s9, $0x2;
	p0 =	sne.s32 s9, $0x1C0;
	s9 =	sadd.s32 $0x40, s9;
	v4 =	vtrunc.f32 v2;
	v3 =	vsub.s32 v1, v3;
	v1 =	vor.u32 s10, v0  }
.Ltmp22:
0x157: {  	v2 =	vld [tilespmem:s11+$0xB00];
	v5 =	vmulhi.u32 $0x4EC4EC4F, v1;
	v4 =	vcvt.f32.s32 v4;
	v3 =	vmul.u32 $0x186A0, v3;
	(pc) =	sbr.rel @p0 .LBB2_46-.Ltmp22, $4  }
0x158: {  	_ = 	snop  }
0x159: {  	v5 =	vshrl.u32 v5, $0x3;
	v4 =	vadd.s32 v4, v3  }
0x15a: {  	v3 =	vmul.u32 $0x1A, v5;
	[tilespmem:s8+$0x1800] =	vst v4;
	s8 =	smov.u32 s11  }
0x15b: {  	s10 =	sadd.s32 $0x10, s10  }
0x15c: {  	v2 =	vtrunc.f32 v2;
	v1 =	vsub.s32 v1, v3  }
0x15d: {  	v2 =	vcvt.f32.s32 v2;
	v1 =	vmul.u32 $0x186A0, v1;
	_ =	sdelay $0x1  }
0x15e: {  	v2 =	vadd.s32 v2, v1;
	v1 =	vor.u32 s31, v0  }
0x15f: {  	s11 =	simm.s32 $0x1800;
	s9 =	simm.s32 $0x2800;
	[tilespmem:s8+$0x1800] =	vst v2;
	v2 =	vmulhi.u32 $0x4EC4EC4F, v1;
	s8 =	simm.s32 $0x0  }
0x160: {  	[tilespmem:s9], [sflag:$0x1] =	stream.indirect.gather [hbm4b:s3+s4], $0x1, s11, s4, $0xb8;
	[tilespmem:$0x2A00] =	vst v63  }
0x161: {  	v3 =	vshrl.u32 v2, $0x3;
	v2 =	vld [tilespmem:s8+$0xB80];
	_ =	sdelay $0x2  }
0x162: {  	v3 =	vmul.u32 $0x1A, v3  }
0x163: {  	s10 =	sadd.s32 $0x10, s31;
	s9 =	simm.s32 $0x40  }
.LBB2_48:
0x164: {  	s11 =	sshra.s32 s9, $0x2;
	p0 =	sne.s32 s9, $0x1C0;
	s9 =	sadd.s32 $0x40, s9;
	v4 =	vtrunc.f32 v2;
	v3 =	vsub.s32 v1, v3;
	v1 =	vor.u32 s10, v0  }
.Ltmp23:
0x165: {  	v2 =	vld [tilespmem:s11+$0xB80];
	v5 =	vmulhi.u32 $0x4EC4EC4F, v1;
	v4 =	vcvt.f32.s32 v4;
	v3 =	vmul.u32 $0x186A0, v3;
	(pc) =	sbr.rel @p0 .LBB2_48-.Ltmp23, $4  }
0x166: {  	_ = 	snop  }
0x167: {  	v5 =	vshrl.u32 v5, $0x3;
	v4 =	vadd.s32 v4, v3  }
0x168: {  	v3 =	vmul.u32 $0x1A, v5;
	[tilespmem:s8+$0x1880] =	vst v4;
	s8 =	smov.u32 s11  }
0x169: {  	s10 =	sadd.s32 $0x10, s10  }
0x16a: {  	v2 =	vtrunc.f32 v2;
	v1 =	vsub.s32 v1, v3  }
0x16b: {  	v2 =	vcvt.f32.s32 v2;
	v1 =	vmul.u32 $0x186A0, v1;
	_ =	sdelay $0x1  }
0x16c: {  	v2 =	vadd.s32 v2, v1;
	v1 =	vor.u32 s0, v0  }
0x16d: {  	s11 =	simm.s32 $0x1880;
	s9 =	simm.s32 $0x2880;
	[tilespmem:s8+$0x1880] =	vst v2;
	v2 =	vmulhi.u32 $0x4EC4EC4F, v1;
	s8 =	simm.s32 $0x0  }
0x16e: {  	[tilespmem:s9], [sflag:$0x1] =	stream.indirect.gather [hbm4b:s3+s4], $0x1, s11, s4, $0xb8;
	[tilespmem:$0x2A00] =	vst v63  }
0x16f: {  	v3 =	vshrl.u32 v2, $0x3;
	v2 =	vld [tilespmem:s8+$0xC00];
	_ =	sdelay $0x2  }
0x170: {  	v3 =	vmul.u32 $0x1A, v3  }
0x171: {  	s10 =	sadd.s32 $0x10, s0;
	s9 =	simm.s32 $0x40  }
.LBB2_50:
0x172: {  	s11 =	sshra.s32 s9, $0x2;
	p0 =	sne.s32 s9, $0x1C0;
	s9 =	sadd.s32 $0x40, s9;
	v4 =	vtrunc.f32 v2;
	v3 =	vsub.s32 v1, v3;
	v1 =	vor.u32 s10, v0  }
.Ltmp24:
0x173: {  	v2 =	vld [tilespmem:s11+$0xC00];
	v5 =	vmulhi.u32 $0x4EC4EC4F, v1;
	v4 =	vcvt.f32.s32 v4;
	v3 =	vmul.u32 $0x186A0, v3;
	(pc) =	sbr.rel @p0 .LBB2_50-.Ltmp24, $4  }
0x174: {  	_ = 	snop  }
0x175: {  	v5 =	vshrl.u32 v5, $0x3;
	v4 =	vadd.s32 v4, v3  }
0x176: {  	v3 =	vmul.u32 $0x1A, v5;
	[tilespmem:s8+$0x1900] =	vst v4;
	s8 =	smov.u32 s11  }
0x177: {  	s10 =	sadd.s32 $0x10, s10  }
0x178: {  	v2 =	vtrunc.f32 v2;
	v1 =	vsub.s32 v1, v3  }
0x179: {  	v2 =	vcvt.f32.s32 v2;
	v1 =	vmul.u32 $0x186A0, v1;
	_ =	sdelay $0x1  }
0x17a: {  	v2 =	vadd.s32 v2, v1;
	v1 =	vor.u32 s1, v0  }
0x17b: {  	s11 =	simm.s32 $0x1900;
	s9 =	simm.s32 $0x2900;
	[tilespmem:s8+$0x1900] =	vst v2;
	v2 =	vmulhi.u32 $0x4EC4EC4F, v1;
	s8 =	simm.s32 $0x0  }
0x17c: {  	[tilespmem:s9], [sflag:$0x1] =	stream.indirect.gather [hbm4b:s3+s4], $0x1, s11, s4, $0xb8;
	[tilespmem:$0x2A00] =	vst v63  }
0x17d: {  	v3 =	vshrl.u32 v2, $0x3;
	v2 =	vld [tilespmem:s8+$0xC80];
	_ =	sdelay $0x2  }
0x17e: {  	v3 =	vmul.u32 $0x1A, v3  }
0x17f: {  	s10 =	sadd.s32 $0x10, s1;
	s9 =	simm.s32 $0x40  }
.LBB2_52:
0x180: {  	s11 =	sshra.s32 s9, $0x2;
	p0 =	sne.s32 s9, $0x1C0;
	s9 =	sadd.s32 $0x40, s9;
	v4 =	vtrunc.f32 v2;
	v3 =	vsub.s32 v1, v3;
	v1 =	vor.u32 s10, v0  }
.Ltmp25:
0x181: {  	v2 =	vld [tilespmem:s11+$0xC80];
	v5 =	vmulhi.u32 $0x4EC4EC4F, v1;
	v4 =	vcvt.f32.s32 v4;
	v3 =	vmul.u32 $0x186A0, v3;
	(pc) =	sbr.rel @p0 .LBB2_52-.Ltmp25, $4  }
0x182: {  	_ = 	snop  }
0x183: {  	v5 =	vshrl.u32 v5, $0x3;
	v4 =	vadd.s32 v4, v3  }
0x184: {  	v3 =	vmul.u32 $0x1A, v5;
	[tilespmem:s8+$0x1980] =	vst v4;
	s8 =	smov.u32 s11  }
0x185: {  	s10 =	sadd.s32 $0x10, s10  }
0x186: {  	v2 =	vtrunc.f32 v2;
	v1 =	vsub.s32 v1, v3  }
0x187: {  	v2 =	vcvt.f32.s32 v2;
	v1 =	vmul.u32 $0x186A0, v1;
	_ =	sdelay $0x1  }
0x188: {  	v1 =	vadd.s32 v2, v1  }
0x189: {  	s10 =	simm.s32 $0x1980;
	s9 =	simm.s32 $0x2980;
	[tilespmem:s8+$0x1980] =	vst v1  }
0x18a: {  	[tilespmem:s9], [sflag:$0x1] =	stream.indirect.gather [hbm4b:s3+s4], $0x1, s10, s4, $0xb8;
	[tilespmem:$0x2A00] =	vst v63  }
0x18b: {  	_ =	swait.ge [sflag:s6], $0x80  }
0x18c: {  	[sflag:s6] =	ssyncset.done $0x0  }
0x18d: {  	[sflag:s6] =	ssyncadd.s32 $0xFFFFFF80  }
0x18e: {  	_ =	swait.ge [sflag:s6], $0x80  }
0x18f: {  	[sflag:s6] =	ssyncset.done $0x0  }
0x190: {  	[sflag:s6] =	ssyncadd.s32 $0xFFFFFF80  }
0x191: {  	_ =	swait.ge [sflag:s6], $0x80  }
0x192: {  	[sflag:s6] =	ssyncset.done $0x0  }
0x193: {  	[sflag:s6] =	ssyncadd.s32 $0xFFFFFF80  }
0x194: {  	_ =	swait.ge [sflag:s6], $0x80  }
0x195: {  	[sflag:s6] =	ssyncset.done $0x0  }
0x196: {  	[sflag:s6] =	ssyncadd.s32 $0xFFFFFF80  }
0x197: {  	_ =	swait.ge [sflag:s6], $0x80  }
0x198: {  	[sflag:s6] =	ssyncset.done $0x0  }
0x199: {  	[sflag:s6] =	ssyncadd.s32 $0xFFFFFF80  }
0x19a: {  	_ =	swait.ge [sflag:s6], $0x80  }
0x19b: {  	[sflag:s6] =	ssyncset.done $0x0  }
0x19c: {  	[sflag:s6] =	ssyncadd.s32 $0xFFFFFF80  }
0x19d: {  	_ =	swait.ge [sflag:s6], $0x80  }
0x19e: {  	[sflag:s6] =	ssyncset.done $0x0  }
0x19f: {  	[sflag:s6] =	ssyncadd.s32 $0xFFFFFF80  }
0x1a0: {  	_ =	swait.ge [sflag:s6], $0x80  }
0x1a1: {  	[sflag:s6] =	ssyncset.done $0x0  }
0x1a2: {  	[sflag:s6] =	ssyncadd.s32 $0xFFFFFF80  }
0x1a3: {  	_ =	swait.ge [sflag:s6], $0x80  }
0x1a4: {  	[sflag:s6] =	ssyncset.done $0x0  }
0x1a5: {  	[sflag:s6] =	ssyncadd.s32 $0xFFFFFF80  }
0x1a6: {  	_ =	swait.ge [sflag:s6], $0x80  }
0x1a7: {  	[sflag:s6] =	ssyncset.done $0x0  }
0x1a8: {  	[sflag:s6] =	ssyncadd.s32 $0xFFFFFF80  }
0x1a9: {  	_ =	swait.ge [sflag:s6], $0x80  }
0x1aa: {  	[sflag:s6] =	ssyncset.done $0x0  }
0x1ab: {  	[sflag:s6] =	ssyncadd.s32 $0xFFFFFF80  }
0x1ac: {  	_ =	swait.ge [sflag:s6], $0x80  }
0x1ad: {  	[sflag:s6] =	ssyncset.done $0x0  }
0x1ae: {  	[sflag:s6] =	ssyncadd.s32 $0xFFFFFF80  }
0x1af: {  	_ =	swait.ge [sflag:s6], $0x80  }
0x1b0: {  	[sflag:s6] =	ssyncset.done $0x0  }
0x1b1: {  	[sflag:s6] =	ssyncadd.s32 $0xFFFFFF80  }
0x1b2: {  	_ =	swait.ge [sflag:s6], $0x80  }
0x1b3: {  	[sflag:s6] =	ssyncset.done $0x0  }
0x1b4: {  	[sflag:s6] =	ssyncadd.s32 $0xFFFFFF80  }
0x1b5: {  	_ =	swait.ge [sflag:s6], $0x80  }
0x1b6: {  	[sflag:s6] =	ssyncset.done $0x0  }
0x1b7: {  	[sflag:s6] =	ssyncadd.s32 $0xFFFFFF80  }
0x1b8: {  	_ =	swait.ge [sflag:s6], $0x80  }
0x1b9: {  	[sflag:s6] =	ssyncset.done $0x0  }
0x1ba: {  	[sflag:s6] =	ssyncadd.s32 $0xFFFFFF80  }
0x1bb: {  	_ =	swait.ge [sflag:s6], $0x80  }
0x1bc: {  	[sflag:s6] =	ssyncset.done $0x0  }
0x1bd: {  	[sflag:s6] =	ssyncadd.s32 $0xFFFFFF80  }
0x1be: {  	_ =	swait.ge [sflag:s6], $0x80  }
0x1bf: {  	[sflag:s6] =	ssyncset.done $0x0  }
0x1c0: {  	[sflag:s6] =	ssyncadd.s32 $0xFFFFFF80  }
0x1c1: {  	_ =	swait.ge [sflag:s6], $0x80  }
0x1c2: {  	[sflag:s6] =	ssyncset.done $0x0  }
0x1c3: {  	[sflag:s6] =	ssyncadd.s32 $0xFFFFFF80  }
0x1c4: {  	_ =	swait.ge [sflag:s6], $0x80  }
0x1c5: {  	[sflag:s6] =	ssyncset.done $0x0  }
0x1c6: {  	[sflag:s6] =	ssyncadd.s32 $0xFFFFFF80  }
0x1c7: {  	_ =	swait.ge [sflag:s6], $0x80  }
0x1c8: {  	[sflag:s6] =	ssyncset.done $0x0  }
0x1c9: {  	[sflag:s6] =	ssyncadd.s32 $0xFFFFFF80  }
0x1ca: {  	_ =	swait.ge [sflag:s6], $0x80  }
0x1cb: {  	[sflag:s6] =	ssyncset.done $0x0  }
0x1cc: {  	[sflag:s6] =	ssyncadd.s32 $0xFFFFFF80  }
0x1cd: {  	_ =	swait.ge [sflag:s6], $0x80  }
0x1ce: {  	[sflag:s6] =	ssyncset.done $0x0  }
0x1cf: {  	[sflag:s6] =	ssyncadd.s32 $0xFFFFFF80  }
0x1d0: {  	_ =	swait.ge [sflag:s6], $0x80  }
0x1d1: {  	[sflag:s6] =	ssyncset.done $0x0  }
0x1d2: {  	[sflag:s6] =	ssyncadd.s32 $0xFFFFFF80  }
0x1d3: {  	_ =	swait.ge [sflag:s6], $0x80  }
0x1d4: {  	[sflag:s6] =	ssyncset.done $0x0  }
0x1d5: {  	[sflag:s6] =	ssyncadd.s32 $0xFFFFFF80  }
0x1d6: {  	_ =	swait.ge [sflag:s6], $0x80  }
0x1d7: {  	s8 =	simm.s32 $0x0;
	[sflag:s6] =	ssyncset.done $0x0  }
0x1d8: {  	s10 =	simm.s32 $0x1D00;
	s11 =	rddreg [dreg:$0x4];
	[sflag:s6] =	ssyncadd.s32 $0xFFFFFF80  }
0x1d9: {  	[hbm4b:s11+s8] =	stream.linear.scatter [tilespmem:s10], [sflag:$0x2], $0xD00, $0x38;
	[tilespmem:$0x2A00] =	vst v63  }
0x1da: {  	_ =	swait.ge [sflag:s2], $0xD00  }
0x1db: {  	s5 =	sadd.s32 $0x1, s5;
	s11 =	rddreg [dreg:$0x5]  }
0x1dc: {  	p0 =	sne.s32 s5, s11  }
.Ltmp26:
0x1dd: {  	_ = 	snop;
	(pc) =	sbr.rel @p0 .LBB2_1-.Ltmp26, $3  }
0x1de: {  	_ =	sdelay $0x1  }
0x1df: {  	[sflag:s2] =	ssyncset.done $0x0  }
0x1e0: {  	[sflag:s2] =	ssyncadd.s32 $0xFFFFF300  }
0x1e1: {  	_ =	sfence.sel $0x180000  }
0x1e2: {  	[bflag:$0x0] =	sbarrier.arrive $0xFFFF  }
0x1e3: {  	_ =	strace $0x90000047  }
0x1e4: {  	s0 =	stileid.u32;
	[bflag:$0x2] =	sbarrier.arrive $0xFFFF  }
0x1e5: {  	p0 =	sne.s32 s0, $0x0;
	s0 =	rddreg [dreg:$0x2]  }
0x1e6: {  	s0 =	sadd.s32 @!p0 $0x100000, s0  }
0x1e7: {  	[sflag:s0] =	ssyncadd.tile.s32 @!p0 $0x1;
	_ =	shalt  }
.Lfunc_end2:
_tile_overlayer_lowered:
.L_overlay_start_2:
0x1e8: {  	(tag) =	ssettag $0x2  }
0x1e9: {  	s0 =	rddreg [dreg:$0x0];
	s2 =	stileid.u32  }
0x1ea: {  	s1 =	rddreg [dreg:$0x1];
	p0 =	sne.s32 s2, $0x0  }
0x1eb: {  	s3 =	rddreg [dreg:$0x2];
	[bflag:$0x3] =	sbarrier.arrive $0xFFFF;
	s2 =	simm.s32 @!p0 $0x1C02  }
0x1ec: {  	[timem:s3], [sflag:s2] =	dma.local @!p0 [hbm:s0], s1  }
0x1ed: {  	s0 =	simm.s32 @!p0 $0x2  }
0x1ee: {  	_ =	swait.ge @!p0 [sflag:s0], s1  }
0x1ef: {  	s1 =	ssub.s32 @!p0 $0x0, s1;
	[sflag:s0] =	ssyncset.done @!p0 $0x0  }
0x1f0: {  	[sflag:s0] =	ssyncadd.s32 @!p0 s1  }
0x1f1: {  	[bflag:$0x3] =	sbarrier.arrive $0xFFFF  }
0x1f2: {  	_ =	shalt  }

</sc_bundles>
